<compile_context>
chip_gen: v7x
topology: tpu7x:2x2x1
jax: 0.10.2.dev20260603
libtpu: 0.0.44.dev20260713+nightly
codegen_flags: <defaults>
</compile_context>

<pallas_src>
import functools

import jax
import jax.numpy as jnp
from jax.experimental import pallas as pl
from jax.experimental.pallas import tpu as pltpu

B, S, H = 1, 2048, 1024
E, K, M = 8, 2, 2048
T = B * S
TK = T * K
ALPHA = 1.702
LIMIT = 7.0

RB = 128
PAD_ROWS = TK + E * RB
NT = PAD_ROWS // RB


def _router_body(x_ref, wr_ref, br_ref, scores_ref, eids_ref, ws_ref):
    x = x_ref[...]
    logits = jnp.dot(x, wr_ref[...], preferred_element_type=jnp.float32)
    logits = logits + br_ref[...][None, :]
    iota = jax.lax.broadcasted_iota(jnp.int32, (T, E), 1)
    neg_inf = jnp.float32(-jnp.inf)

    m1 = jnp.max(logits, axis=1, keepdims=True)
    i1 = jnp.min(jnp.where(logits == m1, iota, E), axis=1, keepdims=True)
    masked = jnp.where(iota == i1, neg_inf, logits)
    m2 = jnp.max(masked, axis=1, keepdims=True)
    i2 = jnp.min(jnp.where(masked == m2, iota, E), axis=1, keepdims=True)

    e2 = jnp.exp(m2 - m1)
    denom = 1.0 + e2
    w1 = 1.0 / denom
    w2 = e2 / denom
    scores_ref[...] = jnp.where(iota == i1, w1, 0.0) + jnp.where(iota == i2, w2, 0.0)
    eids_ref[...] = jnp.concatenate([i1, i2], axis=1)
    ws_ref[...] = jnp.concatenate([w1, w2], axis=1)


def _moe_body(te_ref, x_ref, wg_ref, wu_ref, w2_ref, bg_ref, bu_ref, bd_ref,
              out_ref):
    x = x_ref[...].astype(jnp.bfloat16)
    gate = jnp.dot(x, wg_ref[0], preferred_element_type=jnp.float32)
    up = jnp.dot(x, wu_ref[0], preferred_element_type=jnp.float32)
    gate = gate + bg_ref[0]
    up = up + bu_ref[0]

    gate = jnp.clip(gate, -1e9, LIMIT)
    up = jnp.clip(up, -LIMIT, LIMIT)
    glu = gate * jax.nn.sigmoid(gate * ALPHA)
    act = (up + 1.0) * glu

    out_ref[...] = jnp.dot(act.astype(jnp.bfloat16), w2_ref[0],
                           preferred_element_type=jnp.float32) + bd_ref[0]


@jax.jit
def kernel(hidden_states, router_kernel, router_bias, gate_up_proj,
           gate_up_proj_bias, down_proj, down_proj_bias):
    flat = hidden_states.reshape(T, H)

    scores, eids, ws = pl.pallas_call(
        _router_body,
        out_shape=(
            jax.ShapeDtypeStruct((T, E), jnp.float32),
            jax.ShapeDtypeStruct((T, K), jnp.int32),
            jax.ShapeDtypeStruct((T, K), jnp.float32),
        ),
    )(flat, router_kernel, router_bias)

    flat_e = eids.reshape(TK)
    perm = jnp.argsort(flat_e, stable=True)
    tok_sorted = perm // K
    g_sorted = flat_e[perm]
    counts = jnp.bincount(flat_e, length=E)
    padded = ((counts + RB - 1) // RB) * RB
    cstarts = jnp.concatenate([jnp.zeros((1,), jnp.int32),
                               jnp.cumsum(padded)[:-1].astype(jnp.int32)])
    ustarts = jnp.concatenate([jnp.zeros((1,), jnp.int32),
                               jnp.cumsum(counts)[:-1].astype(jnp.int32)])
    j = jnp.arange(TK, dtype=jnp.int32)
    pos = cstarts[g_sorted] + j - ustarts[g_sorted]
    rows_padded = jnp.zeros((PAD_ROWS,), jnp.int32).at[pos].set(tok_sorted)
    inv = jnp.zeros((TK,), jnp.int32).at[perm].set(pos).reshape(T, K)
    cends = cstarts + padded
    tile_expert = jnp.minimum(
        jnp.searchsorted(cends, jnp.arange(NT, dtype=jnp.int32) * RB,
                         side="right"),
        E - 1).astype(jnp.int32)

    x_sorted = flat[rows_padded]

    gu4 = gate_up_proj.reshape(E, H, M, 2)
    wg = gu4[..., 0].astype(jnp.bfloat16)
    wu = gu4[..., 1].astype(jnp.bfloat16)
    w2 = down_proj.astype(jnp.bfloat16)
    gub = gate_up_proj_bias.reshape(E, M, 2)
    bg = gub[..., 0].reshape(E, 1, M)
    bu = gub[..., 1].reshape(E, 1, M)
    bd = down_proj_bias.reshape(E, 1, H)

    out_sorted = pl.pallas_call(
        _moe_body,
        grid_spec=pltpu.PrefetchScalarGridSpec(
            num_scalar_prefetch=1,
            grid=(NT,),
            in_specs=[
                pl.BlockSpec((RB, H), lambda i, te: (i, 0)),
                pl.BlockSpec((1, H, M), lambda i, te: (0, 0, 0)),
                pl.BlockSpec((1, H, M), lambda i, te: (0, 0, 0)),
                pl.BlockSpec((1, M, H), lambda i, te: (0, 0, 0)),
                pl.BlockSpec((1, 1, M), lambda i, te: (te[i], 0, 0)),
                pl.BlockSpec((1, 1, M), lambda i, te: (te[i], 0, 0)),
                pl.BlockSpec((1, 1, H), lambda i, te: (te[i], 0, 0)),
            ],
            out_specs=pl.BlockSpec((RB, H), lambda i, te: (i, 0)),
        ),
        out_shape=jax.ShapeDtypeStruct((PAD_ROWS, H), jnp.float32),
    )(tile_expert, x_sorted, wg, wu, w2, bg, bu, bd)

    final = (ws[:, 0:1] * out_sorted[inv[:, 0]]
             + ws[:, 1:2] * out_sorted[inv[:, 1]])
    return final.reshape(B, S, H), scores

# --- scband reference (transcript-rebuilt; emitter-appended) ---
"""Pipeline reference for scband-gpt-oss-sparse-moe-block-30236569763903 (READ-ONLY COPY).

The authoritative reference and input builder live on the scoring server;
editing this copy changes nothing except your own understanding.
"""

import jax, jax.numpy as jnp
import numpy as np

B, S, H = 1, 2048, 1024
E, K, M = 8, 2, 2048
ALPHA = 1.702
LIMIT = 7.0


def _glorot(key, shape):
    fan_in, fan_out = shape[-2], shape[-1]
    scale = jnp.sqrt(6.0 / (fan_in + fan_out))
    return jax.random.uniform(key, shape, jnp.float32, -scale, scale)


def setup_inputs(seed: int = 0) -> dict:
    key = jax.random.key(seed)
    ks = jax.random.split(key, 5)
    hidden_states = jax.random.normal(ks[0], (B, S, H), dtype=jnp.float32)
    router_kernel = _glorot(ks[1], (H, E))
    router_bias = jnp.zeros((E,), dtype=jnp.float32)
    gate_up_proj = _glorot(ks[2], (E, H, 2 * M))
    gate_up_proj_bias = jnp.zeros((E, 2 * M), dtype=jnp.float32)
    down_proj = _glorot(ks[3], (E, M, H))
    down_proj_bias = jnp.zeros((E, H), dtype=jnp.float32)
    return {
        "hidden_states": hidden_states,
        "router_kernel": router_kernel,
        "router_bias": router_bias,
        "gate_up_proj": gate_up_proj,
        "gate_up_proj_bias": gate_up_proj_bias,
        "down_proj": down_proj,
        "down_proj_bias": down_proj_bias,
    }


def reference(hidden_states, router_kernel, router_bias, gate_up_proj,
              gate_up_proj_bias, down_proj, down_proj_bias):
    b, s, _ = hidden_states.shape
    flat = hidden_states.reshape(-1, H)  # [T, H]

    # Router (GptOssTopKRouter)
    router_logits = flat @ router_kernel + router_bias  # [T, E]
    routing_weights, selected_experts = jax.lax.top_k(router_logits, K)
    routing_weights = jax.nn.softmax(routing_weights, axis=-1)
    expert_mask = jax.nn.one_hot(selected_experts, E, dtype=routing_weights.dtype)  # [T, K, E]
    weighted_mask = expert_mask * routing_weights[..., None]
    router_scores = jnp.sum(weighted_mask, axis=1)  # [T, E]

    # Experts (GptOssExperts) - dense over all experts
    gate_up = jnp.einsum("th,ehm->etm", flat, gate_up_proj)  # [E, T, 2M]
    gate_up = gate_up + gate_up_proj_bias[:, None, :]
    gate = gate_up[..., ::2]
    up = gate_up[..., 1::2]
    gate = jnp.clip(gate, -1e9, LIMIT)
    up = jnp.clip(up, -LIMIT, LIMIT)
    glu = gate * jax.nn.sigmoid(gate * ALPHA)
    gated_output = (up + 1.0) * glu
    out = jnp.einsum("etm,emh->eth", gated_output, down_proj)  # [E, T, H]
    out = out + down_proj_bias[:, None, :]

    # Combine
    router_scores_t = jnp.transpose(router_scores)  # [E, T]
    weighted_outputs = out * router_scores_t[:, :, None]
    final_output = jnp.sum(weighted_outputs, axis=0)  # [T, H]
    final_output = final_output.reshape(b, s, H)
    return final_output, router_scores

if __name__ == "__main__":
    import jax
    _d = setup_inputs()
    print(jax.jit(kernel)(*tuple(_d.values())))

</pallas_src>

<mosaic_0001>
module attributes {stable_mosaic.version = 14 : i64} {
  func.func @_router_body(%arg0: memref<2048x1024xf32, #tpu.memory_space<vmem>>, %arg1: memref<1024x8xf32, #tpu.memory_space<vmem>>, %arg2: memref<8xf32, #tpu.memory_space<vmem>>, %arg3: memref<2048x8xf32, #tpu.memory_space<vmem>>, %arg4: memref<2048x2xi32, #tpu.memory_space<vmem>>, %arg5: memref<2048x2xf32, #tpu.memory_space<vmem>>) attributes {dimension_semantics = [], scalar_prefetch = 0 : i64, scratch_operands = 0 : i64, tpu.core_type = #tpu.core_type<tc>} {
    %get3A = arith.constant 0 : index
    %get3A_0 = arith.constant 0 : index
    %get3A_1 = vector.load %arg0[%get3A, %get3A_0] : memref<2048x1024xf32, #tpu.memory_space<vmem>>, vector<2048x1024xf32>
    %get3A_2 = arith.constant 0 : index
    %get3A_3 = arith.constant 0 : index
    %get3A_4 = vector.load %arg1[%get3A_2, %get3A_3] : memref<1024x8xf32, #tpu.memory_space<vmem>>, vector<1024x8xf32>
    %dot_general3A = arith.constant dense<0.000000e+00> : vector<2048x8xf32>
    %dot_general3A_5 = tpu.matmul %get3A_1, %get3A_4, %dot_general3A {dimension_numbers = #tpu.dot_dimension_numbers<[1], [0], [0], [1], [0, 0, 1, 1], [], []>, transpose_lhs_hint = false} : vector<2048x1024xf32>, vector<1024x8xf32>, vector<2048x8xf32> -> vector<2048x8xf32>
    %get3A_6 = arith.constant 0 : index
    %get3A_7 = vector.load %arg2[%get3A_6] : memref<8xf32, #tpu.memory_space<vmem>>, vector<8xf32>
    %broadcast_in_dim3A = vector.shape_cast %get3A_7 : vector<8xf32> to vector<1x8xf32>
    %add3A = vector.broadcast %broadcast_in_dim3A : vector<1x8xf32> to vector<2048x8xf32>
    %add3A_8 = arith.addf %dot_general3A_5, %add3A : vector<2048x8xf32>
    %iota3A = tpu.iota {dimensions = array<i32: 1>} : vector<2048x8xi32>
    %reduce_max3A = arith.constant dense<0xFF800000> : vector<2048xf32>
    %reduce_max3A_9 = vector.multi_reduction <maximumf>, %add3A_8, %reduce_max3A [1] : vector<2048x8xf32> to vector<2048xf32>
    %broadcast_in_dim3A_10 = vector.shape_cast %reduce_max3A_9 : vector<2048xf32> to vector<2048x1xf32>
    %eq3A = vector.broadcast %broadcast_in_dim3A_10 : vector<2048x1xf32> to vector<2048x8xf32>
    %eq3A_11 = arith.cmpf oeq, %add3A_8, %eq3A : vector<2048x8xf32>
    %jit3A = arith.constant 8 : i32
    %broadcast_in_dim3A_12 = vector.broadcast %jit3A : i32 to vector<2048x8xi32>
    %select_n3A = arith.select %eq3A_11, %iota3A, %broadcast_in_dim3A_12 : vector<2048x8xi1>, vector<2048x8xi32>
    %reduce_min3A = arith.constant dense<2147483647> : vector<2048xi32>
    %reduce_min3A_13 = vector.multi_reduction <minsi>, %select_n3A, %reduce_min3A [1] : vector<2048x8xi32> to vector<2048xi32>
    %broadcast_in_dim3A_14 = vector.shape_cast %reduce_min3A_13 : vector<2048xi32> to vector<2048x1xi32>
    %eq3A_15 = vector.broadcast %broadcast_in_dim3A_14 : vector<2048x1xi32> to vector<2048x8xi32>
    %eq3A_16 = arith.cmpi eq, %iota3A, %eq3A_15 : vector<2048x8xi32>
    %jit3A_17 = arith.constant 0xFF800000 : f32
    %broadcast_in_dim3A_18 = vector.broadcast %jit3A_17 : f32 to vector<2048x8xf32>
    %select_n3A_19 = arith.select %eq3A_16, %broadcast_in_dim3A_18, %add3A_8 : vector<2048x8xi1>, vector<2048x8xf32>
    %reduce_max3A_20 = arith.constant dense<0xFF800000> : vector<2048xf32>
    %reduce_max3A_21 = vector.multi_reduction <maximumf>, %select_n3A_19, %reduce_max3A_20 [1] : vector<2048x8xf32> to vector<2048xf32>
    %broadcast_in_dim3A_22 = vector.shape_cast %reduce_max3A_21 : vector<2048xf32> to vector<2048x1xf32>
    %eq3A_23 = vector.broadcast %broadcast_in_dim3A_22 : vector<2048x1xf32> to vector<2048x8xf32>
    %eq3A_24 = arith.cmpf oeq, %select_n3A_19, %eq3A_23 : vector<2048x8xf32>
    %jit3A_25 = arith.constant 8 : i32
    %broadcast_in_dim3A_26 = vector.broadcast %jit3A_25 : i32 to vector<2048x8xi32>
    %select_n3A_27 = arith.select %eq3A_24, %iota3A, %broadcast_in_dim3A_26 : vector<2048x8xi1>, vector<2048x8xi32>
    %reduce_min3A_28 = arith.constant dense<2147483647> : vector<2048xi32>
    %reduce_min3A_29 = vector.multi_reduction <minsi>, %select_n3A_27, %reduce_min3A_28 [1] : vector<2048x8xi32> to vector<2048xi32>
    %broadcast_in_dim3A_30 = vector.shape_cast %reduce_min3A_29 : vector<2048xi32> to vector<2048x1xi32>
    %sub3A = arith.subf %broadcast_in_dim3A_22, %broadcast_in_dim3A_10 : vector<2048x1xf32>
    %exp3A = math.exp %sub3A : vector<2048x1xf32>
    %add3A_31 = arith.constant 1.000000e+00 : f32
    %add3A_32 = vector.broadcast %add3A_31 : f32 to vector<2048x1xf32>
    %add3A_33 = arith.addf %add3A_32, %exp3A : vector<2048x1xf32>
    %div3A = arith.constant 1.000000e+00 : f32
    %div3A_34 = vector.broadcast %div3A : f32 to vector<2048x1xf32>
    %div3A_35 = arith.divf %div3A_34, %add3A_33 : vector<2048x1xf32>
    %div3A_36 = arith.divf %exp3A, %add3A_33 : vector<2048x1xf32>
    %eq3A_37 = vector.broadcast %broadcast_in_dim3A_14 : vector<2048x1xi32> to vector<2048x8xi32>
    %eq3A_38 = arith.cmpi eq, %iota3A, %eq3A_37 : vector<2048x8xi32>
    %jit3A_39 = arith.constant 0.000000e+00 : f32
    %broadcast_in_dim3A_40 = vector.shape_cast %div3A_35 : vector<2048x1xf32> to vector<2048x1xf32>
    %broadcast_in_dim3A_41 = vector.broadcast %broadcast_in_dim3A_40 : vector<2048x1xf32> to vector<2048x8xf32>
    %broadcast_in_dim3A_42 = vector.broadcast %jit3A_39 : f32 to vector<2048x8xf32>
    %select_n3A_43 = arith.select %eq3A_38, %broadcast_in_dim3A_41, %broadcast_in_dim3A_42 : vector<2048x8xi1>, vector<2048x8xf32>
    %eq3A_44 = vector.broadcast %broadcast_in_dim3A_30 : vector<2048x1xi32> to vector<2048x8xi32>
    %eq3A_45 = arith.cmpi eq, %iota3A, %eq3A_44 : vector<2048x8xi32>
    %jit3A_46 = arith.constant 0.000000e+00 : f32
    %broadcast_in_dim3A_47 = vector.shape_cast %div3A_36 : vector<2048x1xf32> to vector<2048x1xf32>
    %broadcast_in_dim3A_48 = vector.broadcast %broadcast_in_dim3A_47 : vector<2048x1xf32> to vector<2048x8xf32>
    %broadcast_in_dim3A_49 = vector.broadcast %jit3A_46 : f32 to vector<2048x8xf32>
    %select_n3A_50 = arith.select %eq3A_45, %broadcast_in_dim3A_48, %broadcast_in_dim3A_49 : vector<2048x8xi1>, vector<2048x8xf32>
    %add3A_51 = arith.addf %select_n3A_43, %select_n3A_50 : vector<2048x8xf32>
    %swap3A = arith.constant 0 : index
    %swap3A_52 = arith.constant 0 : index
    %swap3A_53 = vector.load %arg3[%swap3A, %swap3A_52] : memref<2048x8xf32, #tpu.memory_space<vmem>>, vector<2048x8xf32>
    tpu.vector_store %arg3[%swap3A, %swap3A_52], %add3A_51 {strides = array<i32>} : memref<2048x8xf32, #tpu.memory_space<vmem>>, vector<2048x8xf32>,
    %concatenate3A = tpu.concatenate %broadcast_in_dim3A_14, %broadcast_in_dim3A_30 in 1 : vector<2048x1xi32>, vector<2048x1xi32> -> vector<2048x2xi32>
    %swap3A_54 = arith.constant 0 : index
    %swap3A_55 = arith.constant 0 : index
    %swap3A_56 = vector.load %arg4[%swap3A_54, %swap3A_55] : memref<2048x2xi32, #tpu.memory_space<vmem>>, vector<2048x2xi32>
    tpu.vector_store %arg4[%swap3A_54, %swap3A_55], %concatenate3A {strides = array<i32>} : memref<2048x2xi32, #tpu.memory_space<vmem>>, vector<2048x2xi32>,
    %concatenate3A_57 = tpu.concatenate %div3A_35, %div3A_36 in 1 : vector<2048x1xf32>, vector<2048x1xf32> -> vector<2048x2xf32>
    %swap3A_58 = arith.constant 0 : index
    %swap3A_59 = arith.constant 0 : index
    %swap3A_60 = vector.load %arg5[%swap3A_58, %swap3A_59] : memref<2048x2xf32, #tpu.memory_space<vmem>>, vector<2048x2xf32>
    tpu.vector_store %arg5[%swap3A_58, %swap3A_59], %concatenate3A_57 {strides = array<i32>} : memref<2048x2xf32, #tpu.memory_space<vmem>>, vector<2048x2xf32>,
    return
  }
}

module attributes {stable_mosaic.version = 14 : i64} {
  func.func @_moe_body(%arg0: i32, %arg1: memref<40xi32, #tpu.memory_space<smem>>, %arg2: memref<128x1024xf32, #tpu.memory_space<vmem>>, %arg3: memref<1x1024x2048xbf16, #tpu.memory_space<vmem>>, %arg4: memref<1x1024x2048xbf16, #tpu.memory_space<vmem>>, %arg5: memref<1x2048x1024xbf16, #tpu.memory_space<vmem>>, %arg6: memref<1x1x2048xf32, #tpu.memory_space<vmem>>, %arg7: memref<1x1x2048xf32, #tpu.memory_space<vmem>>, %arg8: memref<1x1x1024xf32, #tpu.memory_space<vmem>>, %arg9: memref<128x1024xf32, #tpu.memory_space<vmem>>) attributes {dimension_semantics = [#tpu.dimension_semantics<arbitrary>], iteration_bounds = array<i64: 40>, scalar_prefetch = 1 : i64, scratch_operands = 0 : i64, tpu.core_type = #tpu.core_type<tc>, window_params = [{transform_indices = @transform_0, window_bounds = array<i64: 128, 1024>}, {transform_indices = @transform_1, window_bounds = array<i64: 1, 1024, 2048>}, {transform_indices = @transform_2, window_bounds = array<i64: 1, 1024, 2048>}, {transform_indices = @transform_3, window_bounds = array<i64: 1, 2048, 1024>}, {transform_indices = @transform_4, window_bounds = array<i64: 1, 1, 2048>}, {transform_indices = @transform_5, window_bounds = array<i64: 1, 1, 2048>}, {transform_indices = @transform_6, window_bounds = array<i64: 1, 1, 1024>}, {transform_indices = @transform_7, window_bounds = array<i64: 128, 1024>}]} {
    %get3A = arith.constant 0 : index
    %get3A_0 = arith.constant 0 : index
    %get3A_1 = vector.load %arg2[%get3A, %get3A_0] : memref<128x1024xf32, #tpu.memory_space<vmem>>, vector<128x1024xf32>
    %convert_element_type3A = arith.truncf %get3A_1 : vector<128x1024xf32> to vector<128x1024xbf16>
    %get3A_2 = arith.constant 0 : index
    %get3A_3 = arith.constant 0 : index
    %get3A_4 = arith.constant 0 : index
    %get3A_5 = vector.load %arg3[%get3A_2, %get3A_3, %get3A_4] : memref<1x1024x2048xbf16, #tpu.memory_space<vmem>>, vector<1x1024x2048xbf16>
    %get3A_6 = vector.shape_cast %get3A_5 : vector<1x1024x2048xbf16> to vector<1024x2048xbf16>
    %dot_general3A = arith.constant dense<0.000000e+00> : vector<128x2048xf32>
    %dot_general3A_7 = tpu.matmul %convert_element_type3A, %get3A_6, %dot_general3A {dimension_numbers = #tpu.dot_dimension_numbers<[1], [0], [0], [1], [0, 0, 1, 1], [], []>, transpose_lhs_hint = false} : vector<128x1024xbf16>, vector<1024x2048xbf16>, vector<128x2048xf32> -> vector<128x2048xf32>
    %get3A_8 = arith.constant 0 : index
    %get3A_9 = arith.constant 0 : index
    %get3A_10 = arith.constant 0 : index
    %get3A_11 = vector.load %arg4[%get3A_8, %get3A_9, %get3A_10] : memref<1x1024x2048xbf16, #tpu.memory_space<vmem>>, vector<1x1024x2048xbf16>
    %get3A_12 = vector.shape_cast %get3A_11 : vector<1x1024x2048xbf16> to vector<1024x2048xbf16>
    %dot_general3A_13 = arith.constant dense<0.000000e+00> : vector<128x2048xf32>
    %dot_general3A_14 = tpu.matmul %convert_element_type3A, %get3A_12, %dot_general3A_13 {dimension_numbers = #tpu.dot_dimension_numbers<[1], [0], [0], [1], [0, 0, 1, 1], [], []>, transpose_lhs_hint = false} : vector<128x1024xbf16>, vector<1024x2048xbf16>, vector<128x2048xf32> -> vector<128x2048xf32>
    %get3A_15 = arith.constant 0 : index
    %get3A_16 = arith.constant 0 : index
    %get3A_17 = arith.constant 0 : index
    %get3A_18 = vector.load %arg6[%get3A_15, %get3A_16, %get3A_17] : memref<1x1x2048xf32, #tpu.memory_space<vmem>>, vector<1x1x2048xf32>
    %get3A_19 = vector.shape_cast %get3A_18 : vector<1x1x2048xf32> to vector<1x2048xf32>
    %add3A = vector.broadcast %get3A_19 : vector<1x2048xf32> to vector<128x2048xf32>
    %add3A_20 = arith.addf %dot_general3A_7, %add3A : vector<128x2048xf32>
    %get3A_21 = arith.constant 0 : index
    %get3A_22 = arith.constant 0 : index
    %get3A_23 = arith.constant 0 : index
    %get3A_24 = vector.load %arg7[%get3A_21, %get3A_22, %get3A_23] : memref<1x1x2048xf32, #tpu.memory_space<vmem>>, vector<1x1x2048xf32>
    %get3A_25 = vector.shape_cast %get3A_24 : vector<1x1x2048xf32> to vector<1x2048xf32>
    %add3A_26 = vector.broadcast %get3A_25 : vector<1x2048xf32> to vector<128x2048xf32>
    %add3A_27 = arith.addf %dot_general3A_14, %add3A_26 : vector<128x2048xf32>
    %jit3A = arith.constant -1.000000e+09 : f32
    %jit3A_28 = arith.constant 7.000000e+00 : f32
    %max3A = vector.broadcast %jit3A : f32 to vector<128x2048xf32>
    %max3A_29 = arith.maximumf %max3A, %add3A_20 : vector<128x2048xf32>
    %min3A = vector.broadcast %jit3A_28 : f32 to vector<128x2048xf32>
    %min3A_30 = arith.minimumf %min3A, %max3A_29 : vector<128x2048xf32>
    %jit3A_31 = arith.constant -7.000000e+00 : f32
    %jit3A_32 = arith.constant 7.000000e+00 : f32
    %max3A_33 = vector.broadcast %jit3A_31 : f32 to vector<128x2048xf32>
    %max3A_34 = arith.maximumf %max3A_33, %add3A_27 : vector<128x2048xf32>
    %min3A_35 = vector.broadcast %jit3A_32 : f32 to vector<128x2048xf32>
    %min3A_36 = arith.minimumf %min3A_35, %max3A_34 : vector<128x2048xf32>
    %mul3A = arith.constant 1.702000e+00 : f32
    %mul3A_37 = vector.broadcast %mul3A : f32 to vector<128x2048xf32>
    %mul3A_38 = arith.mulf %min3A_30, %mul3A_37 : vector<128x2048xf32>
    %logistic3A = arith.negf %mul3A_38 : vector<128x2048xf32>
    %logistic3A_39 = math.exp %logistic3A : vector<128x2048xf32>
    %logistic3A_40 = arith.constant 1.000000e+00 : f32
    %logistic3A_41 = vector.broadcast %logistic3A_40 : f32 to vector<128x2048xf32>
    %logistic3A_42 = arith.addf %logistic3A_41, %logistic3A_39 : vector<128x2048xf32>
    %logistic3A_43 = arith.divf %logistic3A_41, %logistic3A_42 : vector<128x2048xf32>
    %mul3A_44 = arith.mulf %min3A_30, %logistic3A_43 : vector<128x2048xf32>
    %add3A_45 = arith.constant 1.000000e+00 : f32
    %add3A_46 = vector.broadcast %add3A_45 : f32 to vector<128x2048xf32>
    %add3A_47 = arith.addf %min3A_36, %add3A_46 : vector<128x2048xf32>
    %mul3A_48 = arith.mulf %add3A_47, %mul3A_44 : vector<128x2048xf32>
    %convert_element_type3A_49 = arith.truncf %mul3A_48 : vector<128x2048xf32> to vector<128x2048xbf16>
    %get3A_50 = arith.constant 0 : index
    %get3A_51 = arith.constant 0 : index
    %get3A_52 = arith.constant 0 : index
    %get3A_53 = vector.load %arg5[%get3A_50, %get3A_51, %get3A_52] : memref<1x2048x1024xbf16, #tpu.memory_space<vmem>>, vector<1x2048x1024xbf16>
    %get3A_54 = vector.shape_cast %get3A_53 : vector<1x2048x1024xbf16> to vector<2048x1024xbf16>
    %dot_general3A_55 = arith.constant dense<0.000000e+00> : vector<128x1024xf32>
    %dot_general3A_56 = tpu.matmul %convert_element_type3A_49, %get3A_54, %dot_general3A_55 {dimension_numbers = #tpu.dot_dimension_numbers<[1], [0], [0], [1], [0, 0, 1, 1], [], []>, transpose_lhs_hint = false} : vector<128x2048xbf16>, vector<2048x1024xbf16>, vector<128x1024xf32> -> vector<128x1024xf32>
    %get3A_57 = arith.constant 0 : index
    %get3A_58 = arith.constant 0 : index
    %get3A_59 = arith.constant 0 : index
    %get3A_60 = vector.load %arg8[%get3A_57, %get3A_58, %get3A_59] : memref<1x1x1024xf32, #tpu.memory_space<vmem>>, vector<1x1x1024xf32>
    %get3A_61 = vector.shape_cast %get3A_60 : vector<1x1x1024xf32> to vector<1x1024xf32>
    %add3A_62 = vector.broadcast %get3A_61 : vector<1x1024xf32> to vector<128x1024xf32>
    %add3A_63 = arith.addf %dot_general3A_56, %add3A_62 : vector<128x1024xf32>
    %swap3A = arith.constant 0 : index
    %swap3A_64 = arith.constant 0 : index
    %swap3A_65 = vector.load %arg9[%swap3A, %swap3A_64] : memref<128x1024xf32, #tpu.memory_space<vmem>>, vector<128x1024xf32>
    tpu.vector_store %arg9[%swap3A, %swap3A_64], %add3A_63 {strides = array<i32>} : memref<128x1024xf32, #tpu.memory_space<vmem>>, vector<128x1024xf32>,
    return
  }
  func.func @transform_0(%arg0: i32, %arg1: memref<40xi32, #tpu.memory_space<smem>>) -> (i32, i32) {
    %c0_i32 = arith.constant 0 : i32
    %c0_i32_0 = arith.constant 0 : i32
    return %arg0, %c0_i32 : i32, i32
  }
  func.func @transform_1(%arg0: i32, %arg1: memref<40xi32, #tpu.memory_space<smem>>) -> (i32, i32, i32) {
    %c0_i32 = arith.constant 0 : i32
    %c0_i32_0 = arith.constant 0 : i32
    %c0_i32_1 = arith.constant 0 : i32
    %c0_i32_2 = arith.constant 0 : i32
    return %c0_i32, %c0_i32_0, %c0_i32_1 : i32, i32, i32
  }
  func.func @transform_2(%arg0: i32, %arg1: memref<40xi32, #tpu.memory_space<smem>>) -> (i32, i32, i32) {
    %c0_i32 = arith.constant 0 : i32
    %c0_i32_0 = arith.constant 0 : i32
    %c0_i32_1 = arith.constant 0 : i32
    %c0_i32_2 = arith.constant 0 : i32
    return %c0_i32, %c0_i32_0, %c0_i32_1 : i32, i32, i32
  }
  func.func @transform_3(%arg0: i32, %arg1: memref<40xi32, #tpu.memory_space<smem>>) -> (i32, i32, i32) {
    %c0_i32 = arith.constant 0 : i32
    %c0_i32_0 = arith.constant 0 : i32
    %c0_i32_1 = arith.constant 0 : i32
    %c0_i32_2 = arith.constant 0 : i32
    return %c0_i32, %c0_i32_0, %c0_i32_1 : i32, i32, i32
  }
  func.func @transform_4(%arg0: i32, %arg1: memref<40xi32, #tpu.memory_space<smem>>) -> (i32, i32, i32) {
    %get3A = arith.index_cast %arg0 : i32 to index
    %get3A_0 = memref.load %arg1[%get3A] : memref<40xi32, #tpu.memory_space<smem>>
    %c0_i32 = arith.constant 0 : i32
    %c0_i32_1 = arith.constant 0 : i32
    %c0_i32_2 = arith.constant 0 : i32
    return %get3A_0, %c0_i32, %c0_i32_1 : i32, i32, i32
  }
  func.func @transform_5(%arg0: i32, %arg1: memref<40xi32, #tpu.memory_space<smem>>) -> (i32, i32, i32) {
    %get3A = arith.index_cast %arg0 : i32 to index
    %get3A_0 = memref.load %arg1[%get3A] : memref<40xi32, #tpu.memory_space<smem>>
    %c0_i32 = arith.constant 0 : i32
    %c0_i32_1 = arith.constant 0 : i32
    %c0_i32_2 = arith.constant 0 : i32
    return %get3A_0, %c0_i32, %c0_i32_1 : i32, i32, i32
  }
  func.func @transform_6(%arg0: i32, %arg1: memref<40xi32, #tpu.memory_space<smem>>) -> (i32, i32, i32) {
    %get3A = arith.index_cast %arg0 : i32 to index
    %get3A_0 = memref.load %arg1[%get3A] : memref<40xi32, #tpu.memory_space<smem>>
    %c0_i32 = arith.constant 0 : i32
    %c0_i32_1 = arith.constant 0 : i32
    %c0_i32_2 = arith.constant 0 : i32
    return %get3A_0, %c0_i32, %c0_i32_1 : i32, i32, i32
  }
  func.func @transform_7(%arg0: i32, %arg1: memref<40xi32, #tpu.memory_space<smem>>) -> (i32, i32) {
    %c0_i32 = arith.constant 0 : i32
    %c0_i32_0 = arith.constant 0 : i32
    return %arg0, %c0_i32 : i32, i32
  }
}

</mosaic_0001>

<sc_bundles>
// kernel: gather_offload_async_start.1
scs
__scs_entry_jumppad:
0x0: {  	(pc) =	sbr.rel $0x88, $3  }
0x1: {  	(tag) =	ssettag $0x0;
	lr =	simm.s32 $0x1  }
0x2: {  	[smem:$0x3F9A] =	sst lr;
	_ =	strace $0xD0000000  }
0x3: {  	_ = 	snop  }
0x4: {  	_ = 	snop  }
0x5: {  	_ = 	snop  }
0x6: {  	_ = 	snop  }
0x7: {  	_ = 	snop  }
__scs_overlays_trampoline_lowered:
0x8: {  	[smem:$0x3FA9] =	sst s0  }
0x9: {  	[smem:$0x3FAA] =	sst s1  }
0xa: {  	[smem:$0x3FAB] =	sst s2  }
0xb: {  	[smem:$0x3FAC] =	sst s3  }
0xc: {  	[smem:$0x3FAD] =	sst s4  }
0xd: {  	[smem:$0x3FAE] =	sst s5  }
0xe: {  	[smem:$0x3FAF] =	sst s6  }
0xf: {  	[smem:$0x3FB0] =	sst s7  }
0x10: {  	[smem:$0x3FB1] =	sst s8  }
0x11: {  	[smem:$0x3FB2] =	sst s9;
	s0 =	simm.s32 @!p0 $0x0  }
0x12: {  	s1 =	sld [smem:$0x3F98];
	s0 =	simm.s32 @p0 $0x1  }
0x13: {  	[smem:$0x3FB3] =	sst s0;
	s0 =	simm.s32 @!p1 $0x0  }
0x14: {  	s2 =	sld [smem:$0x3F97];
	s0 =	simm.s32 @p1 $0x1  }
0x15: {  	[smem:$0x3FB4] =	sst s0;
	s0 =	simm.s32 @!p2 $0x0  }
0x16: {  	s3 =	sld [smem:$0x3FDB];
	s0 =	simm.s32 @p2 $0x1  }
0x17: {  	s4 =	simm.s32 $0x1BF5;
	[smem:$0x3FB6] =	sst s0  }
0x18: {  	s0 =	sld [smem:$0x3F99];
	_ =	swait.ge [sflag:s4], $0x0  }
0x19: {  	s7 =	sld [smem:$0x3F9A]  }
0x1a: {  	s8 =	sadd.s32 $0xFFFFE003, lr  }
0x1b: {  	s9 =	sadd.s32 $0xFFFFFEF7, lr;
	s5 =	simm.s32 $0xFFFFFFFF;
	p2 =	slt.u32 s8, $0xFFFFF086  }
0x1c: {  	p1 =	slt.u32 s9, $0xF7A;
	s5 =	simm.s32 @!p2 $0x0  }
0x1d: {  	s5 =	simm.s32 @p1 $0x1;
	p0 =	seq.s32 s7, s2  }
0x1e: {  	s7 =	smul.u32 @!p0 $0xF7A, s2;
	p2 =	seq.s32 @!p0 s5, $0x0  }
0x1f: {  	s9 =	smul.u32 $0xF7A, s1;
	s8 =	simm.s32 @!p0 $0x1BF5;
	p2 =	por !p2, p0  }
0x20: {  	[sflag:s8] =	ssyncset.s32 @!p0 $0xFFFFF086;
	s6 =	sadd.s32 @!p0 s3, s7;
	s7 =	simm.s32 @!p0 $0x108  }
0x21: {  	s3 =	sadd.s32 s3, s9;
	s6 =	sadd.s32 @!p0 $0x88, s6;
	s7 =	simm.s32 @p2 $0x1082  }
0x22: {  	[simem:s7], [sflag:s8] =	dma.local @!p0 [hbm:s6], $0xF7A  }
0x23: {  	s9 =	sor.u32 $0xD0000000, s2;
	s6 =	simm.s32 $0x108;
	_ =	swait.ge @!p0 [sflag:s8], $0x0  }
0x24: {  	s3 =	sadd.s32 $0x88, s3;
	s6 =	simm.s32 @!p1 $0x1082;
	[sflag:s4] =	ssyncset.s32 $0xFFFFF086  }
0x25: {  	[simem:s6], [sflag:s4] =	dma.local [hbm:s3], $0xF7A  }
0x26: {  	[smem:$0x3F9A] =	sst s1;
	(tag) =	ssettag s2;
	_ =	strace s9  }
0x27: {  	s1 =	sld [smem:$0x3FAA]  }
0x28: {  	s2 =	sld [smem:$0x3FAB]  }
0x29: {  	s4 =	sld [smem:$0x3FAD]  }
0x2a: {  	p0 =	seq.s32 s5, $0x0;
	s5 =	sld [smem:$0x3FAE]  }
0x2b: {  	s6 =	sld [smem:$0x3FAF]  }
0x2c: {  	s7 =	sld [smem:$0x3FB0]  }
0x2d: {  	s3 =	simm.s32 $0x108;
	s8 =	sld [smem:$0x3FB1]  }
0x2e: {  	s3 =	simm.s32 @!p0 $0x1082;
	s9 =	sld [smem:$0x3FB2]  }
0x2f: {  	lr =	sadd.s32 s0, s3;
	s0 =	sld [smem:$0x3FA9]  }
0x30: {  	s3 =	sld [smem:$0x3FAC]  }
0x31: {  	[smem:$0x3FB5] =	sst s10  }
0x32: {  	s10 =	sld [smem:$0x3FB3];
	_ =	sdelay $0x3  }
0x33: {  	p0 =	seq.s32 s10, $0x1;
	s10 =	sld [smem:$0x3FB5];
	_ =	sdelay $0x3  }
0x34: {  	[smem:$0x3FB5] =	sst s10  }
0x35: {  	s10 =	sld [smem:$0x3FB4];
	_ =	sdelay $0x3  }
0x36: {  	p1 =	seq.s32 s10, $0x1;
	s10 =	sld [smem:$0x3FB5];
	_ =	sdelay $0x3  }
0x37: {  	[smem:$0x3FB5] =	sst s10  }
0x38: {  	s10 =	sld [smem:$0x3FB6]  }
0x39: {  	_ = 	snop;
	(pc) =	sbr.ind lr, $3  }
0x3a: {  	_ = 	snop  }
0x3b: {  	_ = 	snop  }
0x3c: {  	p2 =	seq.s32 s10, $0x1;
	s10 =	sld [smem:$0x3FB5]  }
0x3d: {  	_ =	shalt  }
0x3e: {  	_ =	shalt  }
0x3f: {  	_ =	shalt  }
0x40: {  	_ =	shalt  }
0x41: {  	_ =	shalt  }
0x42: {  	_ =	shalt  }
0x43: {  	_ =	shalt  }
0x44: {  	_ =	shalt  }
0x45: {  	_ =	shalt  }
0x46: {  	_ =	shalt  }
0x47: {  	_ =	shalt  }
0x48: {  	_ =	shalt  }
0x49: {  	_ =	shalt  }
0x4a: {  	_ =	shalt  }
0x4b: {  	_ =	shalt  }
0x4c: {  	_ =	shalt  }
0x4d: {  	_ =	shalt  }
0x4e: {  	_ =	shalt  }
0x4f: {  	_ =	shalt  }
0x50: {  	_ =	shalt  }
0x51: {  	_ =	shalt  }
0x52: {  	_ =	shalt  }
0x53: {  	_ =	shalt  }
0x54: {  	_ =	shalt  }
0x55: {  	_ =	shalt  }
0x56: {  	_ =	shalt  }
0x57: {  	_ =	shalt  }
0x58: {  	_ =	shalt  }
0x59: {  	_ =	shalt  }
0x5a: {  	_ =	shalt  }
0x5b: {  	_ =	shalt  }
0x5c: {  	_ =	shalt  }
0x5d: {  	_ =	shalt  }
0x5e: {  	_ =	shalt  }
0x5f: {  	_ =	shalt  }
0x60: {  	_ =	shalt  }
0x61: {  	_ =	shalt  }
0x62: {  	_ =	shalt  }
0x63: {  	_ =	shalt  }
0x64: {  	_ =	shalt  }
0x65: {  	_ =	shalt  }
0x66: {  	_ =	shalt  }
0x67: {  	_ =	shalt  }
0x68: {  	_ =	shalt  }
0x69: {  	_ =	shalt  }
0x6a: {  	_ =	shalt  }
0x6b: {  	_ =	shalt  }
0x6c: {  	_ =	shalt  }
0x6d: {  	_ =	shalt  }
0x6e: {  	_ =	shalt  }
0x6f: {  	_ =	shalt  }
0x70: {  	_ =	shalt  }
0x71: {  	_ =	shalt  }
0x72: {  	_ =	shalt  }
0x73: {  	_ =	shalt  }
0x74: {  	_ =	shalt  }
0x75: {  	_ =	shalt  }
0x76: {  	_ =	shalt  }
0x77: {  	_ =	shalt  }
0x78: {  	_ =	shalt  }
0x79: {  	_ =	shalt  }
0x7a: {  	_ =	shalt  }
0x7b: {  	_ =	shalt  }
0x7c: {  	_ =	shalt  }
0x7d: {  	_ =	shalt  }
0x7e: {  	_ =	shalt  }
0x7f: {  	_ =	shalt  }
0x80: {  	_ =	shalt  }
0x81: {  	_ =	shalt  }
0x82: {  	_ =	shalt  }
0x83: {  	_ =	shalt  }
0x84: {  	_ =	shalt  }
0x85: {  	_ =	shalt  }
0x86: {  	_ =	shalt  }
0x87: {  	_ =	shalt  }
.Lfunc_end0:
.L_simem_size_0:
called_computation.2_lowered:
.L_overlay_start_0:
0x88: {  	s2 =	sld [smem:$0x3FD9]  }
0x89: {  	s3 =	sld [smem:$0x3FFE];
	_ =	sdelay $0x1  }
0x8a: {  	s1 =	srdreg.scid  }
0x8b: {  	s0 =	sand.u32 $0x1, s1  }
0x8c: {  	s16 =	sshll.u32 s0, $0xA;
	s2 =	sadd.s32 s3, s2  }
0x8d: {  	s2 =	sadd.s32 s2, s16  }
0x8e: {  	[smem:$0x3FC1] =	sst s2  }
0x8f: {  	_ = 	snop  }
0x90: {  	(tm) =	ssettm $0x1  }
0x91: {  	s17 =	sld [smem:$0x3FFB];
	_ =	sdelay $0x3  }
0x92: {  	_ =	strace s17  }
0x93: {  	s2 =	sld [smem:$0x3FFC];
	_ =	sdelay $0x3  }
0x94: {  	_ =	strace s2  }
0x95: {  	s2 =	sld [smem:$0x3FFD];
	_ =	sdelay $0x3  }
0x96: {  	_ =	strace s2  }
0x97: {  	_ =	strace $0x8FFFFFFF  }
0x98: {  	s18 =	sld [smem:$0x3FDB];
	_ =	sdelay $0x1  }
0x99: {  	s19 =	simm.s32 $_scs_section_size  }
0x9a: {  	s4 =	simm.s32 $_size__tile_overlayer_lowered;
	s5 =	simm.s32 $_tile_overlayer_lowered  }
0x9b: {  	s22 =	simm.s32 $0x1BFF;
	s21 =	sshll.u32 s5, $0x1;
	s2 =	sadd.s32 s19, s18  }
0x9c: {  	s6 =	simm.s32 $0x0;
	s20 =	sshll.u32 s4, $0x1;
	s4 =	sadd.s32 s21, s2  }
0x9d: {  	[timem:s6], [sflag:s22] =	dma.local [hbm:s4], s20  }
0x9e: {  	_ =	swait.ge [sflag:s22], s20  }
0x9f: {  	s3 =	ssub.s32 $0x0, s20;
	[sflag:s22] =	ssyncset.done $0x0  }
0xa0: {  	[sflag:s22] =	ssyncadd.s32 s3;
	_ =	sdelay $0x1  }
0xa1: {  	s23 =	simm.s32 $0x1B8B  }
0xa2: {  	_ =	swait.ge [sflag:s23], $0x1  }
0xa3: {  	[sflag:s23] =	ssyncset.done $0x0  }
0xa4: {  	s25 =	simm.s32 $0x1B8E;
	s24 =	sld [smem:$0x3FFE];
	[sflag:s23] =	ssyncadd.s32 $0xFFFFFFFF  }
0xa5: {  	s26 =	simm.s32 $execute0_lowered;
	[smem:$0x3FD2] =	sst s25  }
0xa6: {  	s4 =	sshll.u32 s26, $0x1;
	_ =	strace $0x8000004C;
	[dreg:$0x1] =	wrdreg $0xFFFFFFFF  }
0xa7: {  	s28 =	simm.s32 $_size_execute0_lowered;
	s2 =	sadd.s32 s2, s4;
	[dreg:$0x0] =	wrdreg $0x0  }
0xa8: {  	s4 =	sshll.u32 s28, $0x1;
	[dreg:$0x2] =	wrdreg s2  }
0xa9: {  	[dreg:$0x3] =	wrdreg s4  }
0xaa: {  	[dreg:$0x4] =	wrdreg $0xC0  }
0xab: {  	_ =	task [dreg:s6], $0x5FFFF  }
0xac: {  	[dreg:$0x1] =	wrdreg $0xFFFFFFFF  }
0xad: {  	[dreg:$0x0] =	wrdreg $0x60  }
0xae: {  	[dreg:$0x2] =	wrdreg s24  }
0xaf: {  	[dreg:$0x3] =	wrdreg $0x9  }
0xb0: {  	_ =	task.clear_ibuf [dreg:s6], $0x4FFFF;
	_ =	strace $0x9000004C  }
0xb1: {  	s29 =	simm.s32 $0x9;
	_ =	strace $0x8000004E  }
0xb2: {  	_ =	swait.ge [sflag:s29], $0x1  }
0xb3: {  	[sflag:s29] =	ssyncadd.s32 $0xFFFFFFFF  }
0xb4: {  	_ =	strace $0x9000004E  }
0xb5: {  	_ =	sfence  }
0xb6: {  	s30 =	sld [smem:$0x0];
	_ =	sdelay $0x2  }
0xb7: {  	s31 =	sshll.u32 s1, $0xD;
	s1 =	sshrl.u32 s1, $0x2  }
0xb8: {  	s3 =	sand.u32 $0x4000, s31;
	s1 =	sadd.s32 s1, s30  }
0xb9: {  	s0 =	sor.u32 s3, s0;
	s1 =	sshll.u32 s1, $0x11  }
0xba: {  	s0 =	sor.u32 s1, s0  }
0xbb: {  	s0 =	sadd.s32 $0x8F2B, s0  }
0xbc: {  	[sflag:s0] =	ssyncadd.remote.s32 $0x1  }
0xbd: {  	_ =	sfence.sel $0xFFFF  }
0xbe: {  	[dreg:$0x0] =	wrdreg $0xFFFFFFFF;
	(pc) =	sbr.abs _section_cstart, $3  }
0xbf: {  	[dreg:$0x1] =	wrdreg $0xFFFFFFFF  }
0xc0: {  	_ =	task.clear_ibuf [dreg:s6], $0x2FFFF;
	_ =	strace $0x9FFFFFFF  }
0xc1: {  	(tm) =	ssettm $0x7FFFFFFF  }
tec
execute0_lowered:
.L_overlay_start_1:
0x0: {  	(tag) =	ssettag $0x1  }
0x1: {  	s7 =	rddreg [dreg:$0x0]  }
0x2: {  	s0 =	rddreg [dreg:$0x1];
	_ =	strace $0x8000004D  }
0x3: {  	s1 =	srdreg.scid;
	s4 =	simm.s32 $0x1;
	s9 =	simm.s32 $0x3  }
0x4: {  	s11 =	simm.s32 $0x0;
	p0 =	por $0x0, $0x0;
	s5 =	sshll.u32 s1, $0x4  }
.Ltmp0:
0x5: {  	s1 =	stileid.u32;
	s5 =	sand.u32 $0x10, s5;
	(pc) =	sbr.rel .LBB2_1-.Ltmp0, $4  }
0x6: {  	s2 =	sadd.s32 $0x10C00, s7;
	s3 =	sadd.s32 $0x10800, s7;
	s6 =	sor.u32 s1, s5  }
0x7: {  	[sflag:s4] =	ssyncpa.u1 $0x0;
	s5 =	simm.s32 $0x2;
	s6 =	sshll.u32 s6, $0x6  }
0x8: {  	s7 =	sadd.s32 $0xB0C00, s7;
	[sflag:s5] =	ssyncpa.u1 $0x0;
	s8 =	sadd.s32 $0x40, s6  }
0x9: {  	vm0 =	vmmov $0xff;
	vm1 =	vcmask $0x3F20;
	[sflag:s9] =	ssyncpa.u1 $0x0;
	s10 =	smov.u32 s6;
	s9 =	simm.s32 $0x0  }
.LBB2_9:
0xa: {  	p1 =	slt.u32 s9, $0x2;
	s11 =	sadd.s32 $0x20, s10  }
0xb: {  	s13 =	smov.u32 s6;
	s9 =	sadd.s32 $0x1, s9;
	p2 =	slt.s32 s11, s8  }
0xc: {  	s13 =	smov.u32 @p2 s11;
	p2 =	sne.s32 s9, $0x4  }
.Ltmp1:
0xd: {  	_ = 	snop;
	(pc) =	sbr.rel @!p2 .LBB2_10-.Ltmp1, $4  }
0xe: {  	s12 =	simm.s32 @!p1 $0x3  }
0xf: {  	_ =	swait.ge @!p1 [sflag:s12], $0x8000  }
0x10: {  	p0 =	por !p0, !p0;
	[sflag:s12] =	ssyncset.done @!p1 $0x0  }
0x11: {  	s11 =	smov.u32 s10;
	s10 =	smov.u32 s13;
	[sflag:s12] =	ssyncadd.s32 @!p1 $0xFFFF8000  }
.LBB2_1:
0x12: {  	p1 =	sgt.u32 s9, $0x1  }
0x13: {  	s12 =	sshll.u32 @!p1 s9, $0x5;
	s13 =	sshrl.u32 @!p1 s10, $0x3  }
0x14: {  	s14 =	sand.u32 @!p1 $0x7, s10;
	s12 =	sxor.u32 @!p1 $0x20, s12;
	s13 =	sadd.s32 @!p1 s3, s13  }
0x15: {  	[tilespmem:s12], [sflag:$0x2] =	stream.linear.gather @!p1 [hbm4b:s13+s14], $0x20, $0x38;
	[tilespmem:$0x10040] =	vst v63  }
0x16: {  	p1 =	seq.s32 s9, $0x0  }
0x17: {  	p2 =	seq.s32 @!p1 s9, $0x3  }
0x18: {  	p1 =	por p1, p2  }
.Ltmp2:
0x19: {  	_ = 	snop;
	(pc) =	sbr.rel @p1 .LBB2_9-.Ltmp2, $1  }
0x1a: {  	_ =	sdelay $0x3  }
0x1b: {  	s12 =	simm.s32 $0x1  }
0x1c: {  	_ =	swait.ge [sflag:s5], $0x20;
	s13 =	sand.u32 $0x1, s9;
	s12 =	simm.s32 @!p0 $0x0  }
0x1d: {  	s15 =	simm.s32 $0x0;
	p2 =	por $0x1, $0x1;
	s12 =	sshll.u32 s12, $0x11  }
0x1e: {  	[sflag:s5] =	ssyncset.done $0x0;
	s13 =	sshll.u32 s13, $0x5;
	s14 =	sshrl.u32 s12, $0x2  }
0x1f: {  	[sflag:s5] =	ssyncadd.s32 $0xFFFFFFE0;
	s12 =	sor.u32 $0x40, s14;
	s14 =	sadd.s32 $0x40, s14  }
.LBB2_3:
0x20: {  	s16 =	sshll.u32 s15, $0x4  }
0x21: {  	s16 =	sand.u32 $0x3FFFFFF0, s16  }
0x22: {  	s16 =	sadd.s32 s16, s13  }
0x23: {  	v0 =	vld.msk [tilespmem:s16+$0x0 ss:$0x1], $0xffff;
	_ =	sdelay $0x4  }
0x24: {  	vm2 =	vgt.s32 v0, $0x0  }
0x25: {  	v0 =	vnsel vm2, $0x0, v0  }
0x26: {  	v0 =	vmin.u32 v0, $0x13FF  }
0x27: {  	v1 =	vshll.u32 v0, $0x7;
	v0 =	vshll.u32 v0, $0x4  }
0x28: {  	v1 =	vand.u32 $0xFFC00, v1;
	v0 =	vand.u32 $0x70, v0  }
0x29: {  	v0 =	vor.u32 v0, v1  }
0x2a: {  	s31 =	sshll.u32 s15, $0x10  }
0x2b: {  	s15 =	sshra.s32 s31, $0x2  }
0x2c: {  	s15 =	sadd.s32 s15, s14  }
0x2d: {  	s17 =	sadd.s32 $0x0, s15  }
0x2e: {  	[tilespmem:s17], [sflag:$0x1] =	stream.indirect_vreg.gather [hbm:s2], $0x80, v0, vm0, $0x38;
	[tilespmem:$0x10040] =	vst v63  }
0x2f: {  	p1 =	por p2, p2;
	s16 =	simm.s32 $0x1000;
	v1 =	vadd.s32 $0x80, v0;
	s17 =	sadd.s32 $0x2000, s17  }
.LBB2_4:
0x30: {  	[tilespmem:s17], [sflag:$0x1] =	stream.indirect_vreg.gather [hbm:s2], $0x80, v0, vm1, $0x38;
	[tilespmem:$0x10040] =	vst v63  }
0x31: {  	v0 =	vmov v1;
	s17 =	smov.u32 s16;
	p2 =	sne.s32 s16, $0x7000  }
.Ltmp3:
0x32: {  	s16 =	sadd.s32 $0x1000, s16;
	(pc) =	sbr.rel @p2 .LBB2_4-.Ltmp3, $4  }
0x33: {  	s17 =	sshra.s32 s17, $0x2  }
0x34: {  	s17 =	sadd.s32 s17, s15  }
0x35: {  	[tilespmem:s17], [sflag:$0x1] =	stream.indirect_vreg.gather [hbm:s2], $0x80, v1, vm0, $0x38;
	[tilespmem:$0x10040] =	vst v63  }
0x36: {  	s17 =	sadd.s32 $0x2000, s17;
	v1 =	vadd.s32 $0x80, v1  }
0x37: {  	_ = 	snop  }
.Ltmp4:
0x38: {  	_ = 	snop;
	(pc) =	sbr.rel @p1 .LBB2_3-.Ltmp4, $3  }
0x39: {  	_ =	sdelay $0x1  }
0x3a: {  	[tilespmem:s17], [sflag:$0x1] =	stream.indirect_vreg.gather [hbm:s2], $0x80, v0, vm1, $0x38;
	[tilespmem:$0x10040] =	vst v63  }
0x3b: {  	s15 =	simm.s32 $0x1;
	p2 =	por $0x0, $0x0  }
0x3c: {  	s13 =	sshll.u32 s11, $0x7  }
0x3d: {  	s31 =	sshll.u32 s11, $0x4;
	s13 =	sand.u32 $0xFFFFFC00, s13  }
0x3e: {  	_ =	swait.ge [sflag:s4], $0x8000;
	s11 =	sand.u32 $0x70, s31;
	s13 =	sadd.s32 s13, s7  }
0x3f: {  	s14 =	sadd.s32 $0x2000, s12;
	[sflag:s4] =	ssyncset.done $0x0;
	s11 =	sadd.s32 s11, s13  }
0x40: {  	[sflag:s4] =	ssyncadd.s32 $0xFFFF8000;
	s13 =	simm.s32 $0x400;
	s15 =	sadd.s32 $0x0, s11  }
.LBB2_7:
0x41: {  	[hbm:s15] =	stream.linear.scatter [tilespmem:s12], [sflag:$0x3], $0x2000, $0x38;
	[tilespmem:$0x10040] =	vst v63  }
0x42: {  	s15 =	smov.u32 s13;
	s12 =	smov.u32 s14;
	p1 =	sne.s32 s13, $0xC00  }
.Ltmp5:
0x43: {  	s13 =	sadd.s32 $0x400, s13;
	(pc) =	sbr.rel @p1 .LBB2_7-.Ltmp5, $2  }
0x44: {  	_ =	sdelay $0x2  }
0x45: {  	s14 =	sadd.s32 $0x2000, s14;
	s15 =	sadd.s32 s15, s11  }
.Ltmp6:
0x46: {  	(pc) =	sbr.rel .LBB2_9-.Ltmp6, $2  }
0x47: {  	_ =	sdelay $0x2  }
0x48: {  	[hbm:s15] =	stream.linear.scatter [tilespmem:s12], [sflag:$0x3], $0x2000, $0x38;
	[tilespmem:$0x10040] =	vst v63  }
.LBB2_10:
0x49: {  	_ =	sfence.sel $0x180000  }
0x4a: {  	s2 =	simm.s32 $0x2;
	[bflag:$0x0] =	sbarrier.arrive $0xFFFF  }
0x4b: {  	s30 =	simm.s32 $0x3;
	[sflag:s2] =	ssyncpa.u1 $0x1  }
0x4c: {  	s31 =	simm.s32 $0x1;
	[sflag:s30] =	ssyncpa.u1 $0x1  }
0x4d: {  	[sflag:s31] =	ssyncpa.u1 $0x1  }
0x4e: {  	p0 =	sne.s32 s1, $0x0;
	_ =	strace $0x9000004D  }
0x4f: {  	s0 =	sadd.s32 @!p0 $0x100000, s0;
	[bflag:$0x2] =	sbarrier.arrive $0xFFFF  }
0x50: {  	[sflag:s0] =	ssyncadd.tile.s32 @!p0 $0x1;
	_ =	shalt  }
.Lfunc_end2:
_tile_overlayer_lowered:
.L_overlay_start_2:
0x51: {  	(tag) =	ssettag $0x2  }
0x52: {  	s0 =	rddreg [dreg:$0x0];
	s2 =	stileid.u32  }
0x53: {  	s1 =	rddreg [dreg:$0x1];
	p0 =	sne.s32 s2, $0x0  }
0x54: {  	s3 =	rddreg [dreg:$0x2];
	[bflag:$0x3] =	sbarrier.arrive $0xFFFF;
	s2 =	simm.s32 @!p0 $0x1C01  }
0x55: {  	[timem:s3], [sflag:s2] =	dma.local @!p0 [hbm:s0], s1  }
0x56: {  	s0 =	simm.s32 @!p0 $0x1  }
0x57: {  	_ =	swait.ge @!p0 [sflag:s0], s1  }
0x58: {  	s1 =	ssub.s32 @!p0 $0x0, s1;
	[sflag:s0] =	ssyncset.done @!p0 $0x0  }
0x59: {  	[sflag:s0] =	ssyncadd.s32 @!p0 s1  }
0x5a: {  	[bflag:$0x3] =	sbarrier.arrive $0xFFFF  }
0x5b: {  	_ =	shalt  }

// kernel: gather_offload_async_start.2
scs
__scs_entry_jumppad:
0x0: {  	(pc) =	sbr.rel $0x88, $3  }
0x1: {  	(tag) =	ssettag $0x0;
	lr =	simm.s32 $0x1  }
0x2: {  	[smem:$0x3F9A] =	sst lr;
	_ =	strace $0xD0000000  }
0x3: {  	_ = 	snop  }
0x4: {  	_ = 	snop  }
0x5: {  	_ = 	snop  }
0x6: {  	_ = 	snop  }
0x7: {  	_ = 	snop  }
__scs_overlays_trampoline_lowered:
0x8: {  	[smem:$0x3FA9] =	sst s0  }
0x9: {  	[smem:$0x3FAA] =	sst s1  }
0xa: {  	[smem:$0x3FAB] =	sst s2  }
0xb: {  	[smem:$0x3FAC] =	sst s3  }
0xc: {  	[smem:$0x3FAD] =	sst s4  }
0xd: {  	[smem:$0x3FAE] =	sst s5  }
0xe: {  	[smem:$0x3FAF] =	sst s6  }
0xf: {  	[smem:$0x3FB0] =	sst s7  }
0x10: {  	[smem:$0x3FB1] =	sst s8  }
0x11: {  	[smem:$0x3FB2] =	sst s9;
	s0 =	simm.s32 @!p0 $0x0  }
0x12: {  	s1 =	sld [smem:$0x3F98];
	s0 =	simm.s32 @p0 $0x1  }
0x13: {  	[smem:$0x3FB3] =	sst s0;
	s0 =	simm.s32 @!p1 $0x0  }
0x14: {  	s2 =	sld [smem:$0x3F97];
	s0 =	simm.s32 @p1 $0x1  }
0x15: {  	[smem:$0x3FB4] =	sst s0;
	s0 =	simm.s32 @!p2 $0x0  }
0x16: {  	s3 =	sld [smem:$0x3FDB];
	s0 =	simm.s32 @p2 $0x1  }
0x17: {  	s4 =	simm.s32 $0x1BF5;
	[smem:$0x3FB6] =	sst s0  }
0x18: {  	s0 =	sld [smem:$0x3F99];
	_ =	swait.ge [sflag:s4], $0x0  }
0x19: {  	s7 =	sld [smem:$0x3F9A]  }
0x1a: {  	s8 =	sadd.s32 $0xFFFFE003, lr  }
0x1b: {  	s9 =	sadd.s32 $0xFFFFFEF7, lr;
	s5 =	simm.s32 $0xFFFFFFFF;
	p2 =	slt.u32 s8, $0xFFFFF086  }
0x1c: {  	p1 =	slt.u32 s9, $0xF7A;
	s5 =	simm.s32 @!p2 $0x0  }
0x1d: {  	s5 =	simm.s32 @p1 $0x1;
	p0 =	seq.s32 s7, s2  }
0x1e: {  	s7 =	smul.u32 @!p0 $0xF7A, s2;
	p2 =	seq.s32 @!p0 s5, $0x0  }
0x1f: {  	s9 =	smul.u32 $0xF7A, s1;
	s8 =	simm.s32 @!p0 $0x1BF5;
	p2 =	por !p2, p0  }
0x20: {  	[sflag:s8] =	ssyncset.s32 @!p0 $0xFFFFF086;
	s6 =	sadd.s32 @!p0 s3, s7;
	s7 =	simm.s32 @!p0 $0x108  }
0x21: {  	s3 =	sadd.s32 s3, s9;
	s6 =	sadd.s32 @!p0 $0x88, s6;
	s7 =	simm.s32 @p2 $0x1082  }
0x22: {  	[simem:s7], [sflag:s8] =	dma.local @!p0 [hbm:s6], $0xF7A  }
0x23: {  	s9 =	sor.u32 $0xD0000000, s2;
	s6 =	simm.s32 $0x108;
	_ =	swait.ge @!p0 [sflag:s8], $0x0  }
0x24: {  	s3 =	sadd.s32 $0x88, s3;
	s6 =	simm.s32 @!p1 $0x1082;
	[sflag:s4] =	ssyncset.s32 $0xFFFFF086  }
0x25: {  	[simem:s6], [sflag:s4] =	dma.local [hbm:s3], $0xF7A  }
0x26: {  	[smem:$0x3F9A] =	sst s1;
	(tag) =	ssettag s2;
	_ =	strace s9  }
0x27: {  	s1 =	sld [smem:$0x3FAA]  }
0x28: {  	s2 =	sld [smem:$0x3FAB]  }
0x29: {  	s4 =	sld [smem:$0x3FAD]  }
0x2a: {  	p0 =	seq.s32 s5, $0x0;
	s5 =	sld [smem:$0x3FAE]  }
0x2b: {  	s6 =	sld [smem:$0x3FAF]  }
0x2c: {  	s7 =	sld [smem:$0x3FB0]  }
0x2d: {  	s3 =	simm.s32 $0x108;
	s8 =	sld [smem:$0x3FB1]  }
0x2e: {  	s3 =	simm.s32 @!p0 $0x1082;
	s9 =	sld [smem:$0x3FB2]  }
0x2f: {  	lr =	sadd.s32 s0, s3;
	s0 =	sld [smem:$0x3FA9]  }
0x30: {  	s3 =	sld [smem:$0x3FAC]  }
0x31: {  	[smem:$0x3FB5] =	sst s10  }
0x32: {  	s10 =	sld [smem:$0x3FB3];
	_ =	sdelay $0x3  }
0x33: {  	p0 =	seq.s32 s10, $0x1;
	s10 =	sld [smem:$0x3FB5];
	_ =	sdelay $0x3  }
0x34: {  	[smem:$0x3FB5] =	sst s10  }
0x35: {  	s10 =	sld [smem:$0x3FB4];
	_ =	sdelay $0x3  }
0x36: {  	p1 =	seq.s32 s10, $0x1;
	s10 =	sld [smem:$0x3FB5];
	_ =	sdelay $0x3  }
0x37: {  	[smem:$0x3FB5] =	sst s10  }
0x38: {  	s10 =	sld [smem:$0x3FB6]  }
0x39: {  	_ = 	snop;
	(pc) =	sbr.ind lr, $3  }
0x3a: {  	_ = 	snop  }
0x3b: {  	_ = 	snop  }
0x3c: {  	p2 =	seq.s32 s10, $0x1;
	s10 =	sld [smem:$0x3FB5]  }
0x3d: {  	_ =	shalt  }
0x3e: {  	_ =	shalt  }
0x3f: {  	_ =	shalt  }
0x40: {  	_ =	shalt  }
0x41: {  	_ =	shalt  }
0x42: {  	_ =	shalt  }
0x43: {  	_ =	shalt  }
0x44: {  	_ =	shalt  }
0x45: {  	_ =	shalt  }
0x46: {  	_ =	shalt  }
0x47: {  	_ =	shalt  }
0x48: {  	_ =	shalt  }
0x49: {  	_ =	shalt  }
0x4a: {  	_ =	shalt  }
0x4b: {  	_ =	shalt  }
0x4c: {  	_ =	shalt  }
0x4d: {  	_ =	shalt  }
0x4e: {  	_ =	shalt  }
0x4f: {  	_ =	shalt  }
0x50: {  	_ =	shalt  }
0x51: {  	_ =	shalt  }
0x52: {  	_ =	shalt  }
0x53: {  	_ =	shalt  }
0x54: {  	_ =	shalt  }
0x55: {  	_ =	shalt  }
0x56: {  	_ =	shalt  }
0x57: {  	_ =	shalt  }
0x58: {  	_ =	shalt  }
0x59: {  	_ =	shalt  }
0x5a: {  	_ =	shalt  }
0x5b: {  	_ =	shalt  }
0x5c: {  	_ =	shalt  }
0x5d: {  	_ =	shalt  }
0x5e: {  	_ =	shalt  }
0x5f: {  	_ =	shalt  }
0x60: {  	_ =	shalt  }
0x61: {  	_ =	shalt  }
0x62: {  	_ =	shalt  }
0x63: {  	_ =	shalt  }
0x64: {  	_ =	shalt  }
0x65: {  	_ =	shalt  }
0x66: {  	_ =	shalt  }
0x67: {  	_ =	shalt  }
0x68: {  	_ =	shalt  }
0x69: {  	_ =	shalt  }
0x6a: {  	_ =	shalt  }
0x6b: {  	_ =	shalt  }
0x6c: {  	_ =	shalt  }
0x6d: {  	_ =	shalt  }
0x6e: {  	_ =	shalt  }
0x6f: {  	_ =	shalt  }
0x70: {  	_ =	shalt  }
0x71: {  	_ =	shalt  }
0x72: {  	_ =	shalt  }
0x73: {  	_ =	shalt  }
0x74: {  	_ =	shalt  }
0x75: {  	_ =	shalt  }
0x76: {  	_ =	shalt  }
0x77: {  	_ =	shalt  }
0x78: {  	_ =	shalt  }
0x79: {  	_ =	shalt  }
0x7a: {  	_ =	shalt  }
0x7b: {  	_ =	shalt  }
0x7c: {  	_ =	shalt  }
0x7d: {  	_ =	shalt  }
0x7e: {  	_ =	shalt  }
0x7f: {  	_ =	shalt  }
0x80: {  	_ =	shalt  }
0x81: {  	_ =	shalt  }
0x82: {  	_ =	shalt  }
0x83: {  	_ =	shalt  }
0x84: {  	_ =	shalt  }
0x85: {  	_ =	shalt  }
0x86: {  	_ =	shalt  }
0x87: {  	_ =	shalt  }
.Lfunc_end0:
.L_simem_size_0:
called_computation.3_lowered:
.L_overlay_start_0:
0x88: {  	s2 =	sld [smem:$0x3FD9]  }
0x89: {  	s3 =	sld [smem:$0x3FFE];
	_ =	sdelay $0x1  }
0x8a: {  	s1 =	srdreg.scid  }
0x8b: {  	s0 =	sand.u32 $0x1, s1  }
0x8c: {  	s15 =	sshll.u32 s0, $0xA;
	s2 =	sadd.s32 s3, s2  }
0x8d: {  	s2 =	sadd.s32 s2, s15  }
0x8e: {  	[smem:$0x3FC1] =	sst s2  }
0x8f: {  	_ = 	snop  }
0x90: {  	s2 =	sld [smem:$0x3FD0];
	_ =	sdelay $0x2  }
0x91: {  	s16 =	simm.s32 $0xB;
	s4 =	simm.s32 $0x10  }
0x92: {  	[smem:s4], [sflag:s16] =	dma.local [hbm:s2], $0x1  }
0x93: {  	_ =	swait.eq [sflag:s16], $0x1  }
0x94: {  	[sflag:s16] =	ssyncset.done $0x0  }
0x95: {  	[sflag:s16] =	ssyncadd.s32 $0xFFFFFFFF  }
0x96: {  	s17 =	sld [smem:$0x10];
	(tm) =	ssettm $0x1  }
0x97: {  	s18 =	sld [smem:$0x3FFB];
	_ =	sdelay $0x3  }
0x98: {  	_ =	strace s18  }
0x99: {  	s2 =	sld [smem:$0x3FFC];
	_ =	sdelay $0x3  }
0x9a: {  	_ =	strace s2  }
0x9b: {  	s2 =	sld [smem:$0x3FFD];
	_ =	sdelay $0x3  }
0x9c: {  	_ =	strace s2  }
0x9d: {  	_ =	strace $0x8FFFFFFF  }
0x9e: {  	s19 =	sld [smem:$0x3FDB];
	_ =	sdelay $0x1  }
0x9f: {  	s20 =	simm.s32 $_scs_section_size  }
0xa0: {  	s5 =	simm.s32 $_size__tile_overlayer_lowered;
	s6 =	simm.s32 $_tile_overlayer_lowered  }
0xa1: {  	s7 =	simm.s32 $0x1BFF;
	s21 =	sshll.u32 s6, $0x1;
	s4 =	sadd.s32 s20, s19  }
0xa2: {  	s22 =	simm.s32 $0x0;
	s5 =	sshll.u32 s5, $0x1;
	s6 =	sadd.s32 s21, s4  }
0xa3: {  	[timem:s22], [sflag:s7] =	dma.local [hbm:s6], s5  }
0xa4: {  	_ =	swait.ge [sflag:s7], s5  }
0xa5: {  	s5 =	ssub.s32 $0x0, s5;
	[sflag:s7] =	ssyncset.done $0x0  }
0xa6: {  	[sflag:s7] =	ssyncadd.s32 s5;
	_ =	sdelay $0x1  }
0xa7: {  	s23 =	simm.s32 $0x1B8B  }
0xa8: {  	_ =	swait.ge [sflag:s23], $0x1  }
0xa9: {  	[sflag:s23] =	ssyncset.done $0x0  }
0xaa: {  	[sflag:s23] =	ssyncadd.s32 $0xFFFFFFFF  }
0xab: {  	s5 =	sld [smem:$0x0]  }
0xac: {  	s6 =	sand.u32 $0xFFFFFFFE, s1  }
0xad: {  	p0 =	sne.s32 s1, s6  }
0xae: {  	s6 =	sshll.u32 @p0 s6, $0xE  }
0xaf: {  	s6 =	sadd.s32 @p0 $0x11B8D, s6;
	s7 =	sshll.u32 @p0 s5, $0x11  }
0xb0: {  	s6 =	sor.u32 @p0 s7, s6  }
0xb1: {  	[sflag:s6] =	ssyncadd.remote.s32 @p0 $0x1;
	_ =	sdelay $0x1  }
0xb2: {  	s6 =	simm.s32 @p0 $0x1B8D  }
0xb3: {  	_ =	swait.eq @p0 [sflag:s6], $0x1  }
0xb4: {  	[sflag:s6] =	ssyncadd.s32 @p0 $0xFFFFFFFF  }
0xb5: {  	s7 =	sshll.u32 @!p0 s1, $0xE  }
0xb6: {  	s7 =	sor.u32 @!p0 $0x4000, s7;
	s6 =	simm.s32 @!p0 $0x1B8D  }
0xb7: {  	s5 =	sshll.u32 @!p0 s5, $0x11;
	s7 =	sadd.s32 @!p0 $0x11B8D, s7;
	_ =	swait.eq @!p0 [sflag:s6], $0x1  }
0xb8: {  	s5 =	sor.u32 @!p0 s5, s7;
	[sflag:s6] =	ssyncadd.s32 @!p0 $0xFFFFFFFF  }
0xb9: {  	s25 =	simm.s32 $0x1B8E;
	s24 =	sld [smem:$0x3FFE];
	[sflag:s5] =	ssyncadd.remote.s32 @!p0 $0x1  }
0xba: {  	s26 =	simm.s32 $execute0_lowered;
	[smem:$0x3FD2] =	sst s25  }
0xbb: {  	s6 =	sshll.u32 s26, $0x1;
	_ =	strace $0x8000004F;
	[dreg:$0x1] =	wrdreg $0xFFFFFFFF  }
0xbc: {  	s28 =	simm.s32 $_size_execute0_lowered;
	s4 =	sadd.s32 s4, s6;
	[dreg:$0x0] =	wrdreg $0x0  }
0xbd: {  	s6 =	sshll.u32 s28, $0x1;
	[dreg:$0x2] =	wrdreg s4  }
0xbe: {  	[dreg:$0x3] =	wrdreg s6  }
0xbf: {  	[dreg:$0x4] =	wrdreg $0xC0  }
0xc0: {  	_ =	task [dreg:s22], $0x5FFFF  }
0xc1: {  	[dreg:$0x1] =	wrdreg $0xFFFFFFFF  }
0xc2: {  	[dreg:$0x0] =	wrdreg $0x60  }
0xc3: {  	[dreg:$0x2] =	wrdreg s24  }
0xc4: {  	[dreg:$0x3] =	wrdreg s17  }
0xc5: {  	[dreg:$0x4] =	wrdreg $0xA  }
0xc6: {  	_ =	task.clear_ibuf [dreg:s22], $0x5FFFF;
	_ =	strace $0x9000004F  }
0xc7: {  	s29 =	simm.s32 $0xA;
	_ =	strace $0x80000051  }
0xc8: {  	_ =	swait.ge [sflag:s29], $0x1  }
0xc9: {  	[sflag:s29] =	ssyncadd.s32 $0xFFFFFFFF  }
0xca: {  	_ =	strace $0x90000051  }
0xcb: {  	_ =	sfence  }
0xcc: {  	s30 =	sld [smem:$0x0];
	_ =	sdelay $0x2  }
0xcd: {  	s31 =	sshll.u32 s1, $0xD;
	s1 =	sshrl.u32 s1, $0x2  }
0xce: {  	s4 =	sand.u32 $0x4000, s31;
	s1 =	sadd.s32 s1, s30  }
0xcf: {  	s0 =	sor.u32 s4, s0;
	s1 =	sshll.u32 s1, $0x11  }
0xd0: {  	s0 =	sor.u32 s1, s0  }
0xd1: {  	s0 =	sadd.s32 $0x8F2B, s0  }
0xd2: {  	[sflag:s0] =	ssyncadd.remote.s32 $0x1  }
0xd3: {  	_ =	sfence.sel $0xFFFF  }
0xd4: {  	[dreg:$0x0] =	wrdreg $0xFFFFFFFF;
	(pc) =	sbr.abs _section_cstart, $3  }
0xd5: {  	[dreg:$0x1] =	wrdreg $0xFFFFFFFF  }
0xd6: {  	_ =	task.clear_ibuf [dreg:s22], $0x2FFFF;
	_ =	strace $0x9FFFFFFF  }
0xd7: {  	(tm) =	ssettm $0x7FFFFFFF  }
tec
execute0_lowered:
.L_overlay_start_1:
0x0: {  	(tag) =	ssettag $0x1  }
0x1: {  	s7 =	rddreg [dreg:$0x0]  }
0x2: {  	s2 =	rddreg [dreg:$0x1]  }
0x3: {  	s0 =	rddreg [dreg:$0x2]  }
0x4: {  	s1 =	srdreg.scid;
	_ =	strace $0x80000050;
	s4 =	simm.s32 $0x1  }
0x5: {  	s9 =	simm.s32 $0x3;
	s11 =	simm.s32 $0x0;
	s5 =	sshll.u32 s1, $0x4  }
.Ltmp0:
0x6: {  	s1 =	stileid.u32;
	s5 =	sand.u32 $0x10, s5;
	(pc) =	sbr.rel .LBB2_1-.Ltmp0, $4  }
0x7: {  	p0 =	por $0x0, $0x0;
	s3 =	sadd.s32 $0x10C00, s7;
	s6 =	sor.u32 s1, s5  }
0x8: {  	[sflag:s4] =	ssyncpa.u1 $0x0;
	s5 =	simm.s32 $0x2;
	s6 =	sshll.u32 s6, $0x6  }
0x9: {  	s7 =	sadd.s32 $0x10A00, s7;
	[sflag:s5] =	ssyncpa.u1 $0x0;
	s8 =	sadd.s32 $0x40, s6  }
0xa: {  	vm0 =	vmmov $0xff;
	vm1 =	vcmask $0x3F20;
	[sflag:s9] =	ssyncpa.u1 $0x0;
	s10 =	smov.u32 s6;
	s9 =	simm.s32 $0x0  }
.LBB2_9:
0xb: {  	p1 =	slt.u32 s9, $0x2;
	s11 =	sadd.s32 $0x20, s10  }
0xc: {  	s13 =	smov.u32 s6;
	s9 =	sadd.s32 $0x1, s9;
	p2 =	slt.s32 s11, s8  }
0xd: {  	s13 =	smov.u32 @p2 s11;
	p2 =	sne.s32 s9, $0x4  }
.Ltmp1:
0xe: {  	_ = 	snop;
	(pc) =	sbr.rel @!p2 .LBB2_10-.Ltmp1, $4  }
0xf: {  	s12 =	simm.s32 @!p1 $0x3  }
0x10: {  	_ =	swait.ge @!p1 [sflag:s12], $0x8000  }
0x11: {  	p0 =	por !p0, !p0;
	[sflag:s12] =	ssyncset.done @!p1 $0x0  }
0x12: {  	s11 =	smov.u32 s10;
	s10 =	smov.u32 s13;
	[sflag:s12] =	ssyncadd.s32 @!p1 $0xFFFF8000  }
.LBB2_1:
0x13: {  	p1 =	sgt.u32 s9, $0x1  }
0x14: {  	s12 =	sshll.u32 @!p1 s9, $0x5;
	s13 =	sshrl.u32 @!p1 s10, $0x3  }
0x15: {  	s14 =	sand.u32 @!p1 $0x7, s10;
	s12 =	sxor.u32 @!p1 $0x20, s12;
	s13 =	sadd.s32 @!p1 s7, s13  }
0x16: {  	[tilespmem:s12], [sflag:$0x2] =	stream.linear.gather @!p1 [hbm4b:s13+s14], $0x20, $0x38;
	[tilespmem:$0x10040] =	vst v63  }
0x17: {  	p1 =	seq.s32 s9, $0x0  }
0x18: {  	p2 =	seq.s32 @!p1 s9, $0x3  }
0x19: {  	p1 =	por p1, p2  }
.Ltmp2:
0x1a: {  	_ = 	snop;
	(pc) =	sbr.rel @p1 .LBB2_9-.Ltmp2, $1  }
0x1b: {  	_ =	sdelay $0x3  }
0x1c: {  	s12 =	simm.s32 $0x1  }
0x1d: {  	_ =	swait.ge [sflag:s5], $0x20;
	s13 =	sand.u32 $0x1, s9;
	s12 =	simm.s32 @!p0 $0x0  }
0x1e: {  	s15 =	simm.s32 $0x0;
	p2 =	por $0x1, $0x1;
	s12 =	sshll.u32 s12, $0x11  }
0x1f: {  	[sflag:s5] =	ssyncset.done $0x0;
	s13 =	sshll.u32 s13, $0x5;
	s14 =	sshrl.u32 s12, $0x2  }
0x20: {  	[sflag:s5] =	ssyncadd.s32 $0xFFFFFFE0;
	s12 =	sor.u32 $0x40, s14;
	s14 =	sadd.s32 $0x40, s14  }
.LBB2_3:
0x21: {  	s16 =	sshll.u32 s15, $0x4  }
0x22: {  	s16 =	sand.u32 $0x3FFFFFF0, s16  }
0x23: {  	s16 =	sadd.s32 s16, s13  }
0x24: {  	v0 =	vld.msk [tilespmem:s16+$0x0 ss:$0x1], $0xffff;
	_ =	sdelay $0x4  }
0x25: {  	vm2 =	vgt.s32 v0, $0x0  }
0x26: {  	v0 =	vnsel vm2, $0x0, v0  }
0x27: {  	v0 =	vmin.u32 v0, $0x13FF  }
0x28: {  	v1 =	vshll.u32 v0, $0x7;
	v0 =	vshll.u32 v0, $0x4  }
0x29: {  	v1 =	vand.u32 $0xFFC00, v1;
	v0 =	vand.u32 $0x70, v0  }
0x2a: {  	v0 =	vor.u32 v0, v1  }
0x2b: {  	s31 =	sshll.u32 s15, $0x10  }
0x2c: {  	s15 =	sshra.s32 s31, $0x2  }
0x2d: {  	s15 =	sadd.s32 s15, s14  }
0x2e: {  	s17 =	sadd.s32 $0x0, s15  }
0x2f: {  	[tilespmem:s17], [sflag:$0x1] =	stream.indirect_vreg.gather [hbm:s3], $0x80, v0, vm0, $0x38;
	[tilespmem:$0x10040] =	vst v63  }
0x30: {  	p1 =	por p2, p2;
	s16 =	simm.s32 $0x1000;
	v1 =	vadd.s32 $0x80, v0;
	s17 =	sadd.s32 $0x2000, s17  }
.LBB2_4:
0x31: {  	[tilespmem:s17], [sflag:$0x1] =	stream.indirect_vreg.gather [hbm:s3], $0x80, v0, vm1, $0x38;
	[tilespmem:$0x10040] =	vst v63  }
0x32: {  	v0 =	vmov v1;
	s17 =	smov.u32 s16;
	p2 =	sne.s32 s16, $0x7000  }
.Ltmp3:
0x33: {  	s16 =	sadd.s32 $0x1000, s16;
	(pc) =	sbr.rel @p2 .LBB2_4-.Ltmp3, $4  }
0x34: {  	s17 =	sshra.s32 s17, $0x2  }
0x35: {  	s17 =	sadd.s32 s17, s15  }
0x36: {  	[tilespmem:s17], [sflag:$0x1] =	stream.indirect_vreg.gather [hbm:s3], $0x80, v1, vm0, $0x38;
	[tilespmem:$0x10040] =	vst v63  }
0x37: {  	s17 =	sadd.s32 $0x2000, s17;
	v1 =	vadd.s32 $0x80, v1  }
0x38: {  	_ = 	snop  }
.Ltmp4:
0x39: {  	_ = 	snop;
	(pc) =	sbr.rel @p1 .LBB2_3-.Ltmp4, $3  }
0x3a: {  	_ =	sdelay $0x1  }
0x3b: {  	[tilespmem:s17], [sflag:$0x1] =	stream.indirect_vreg.gather [hbm:s3], $0x80, v0, vm1, $0x38;
	[tilespmem:$0x10040] =	vst v63  }
0x3c: {  	s15 =	simm.s32 $0x1;
	p2 =	por $0x0, $0x0  }
0x3d: {  	s13 =	sshll.u32 s11, $0x7  }
0x3e: {  	s31 =	sshll.u32 s11, $0x4;
	s13 =	sand.u32 $0xFFFFFC00, s13  }
0x3f: {  	_ =	swait.ge [sflag:s4], $0x8000;
	s11 =	sand.u32 $0x70, s31;
	s13 =	sadd.s32 s13, s2  }
0x40: {  	s14 =	sadd.s32 $0x2000, s12;
	[sflag:s4] =	ssyncset.done $0x0;
	s11 =	sadd.s32 s11, s13  }
0x41: {  	[sflag:s4] =	ssyncadd.s32 $0xFFFF8000;
	s13 =	simm.s32 $0x400;
	s15 =	sadd.s32 $0x0, s11  }
.LBB2_7:
0x42: {  	[hbm:s15] =	stream.linear.scatter [tilespmem:s12], [sflag:$0x3], $0x2000, $0x38;
	[tilespmem:$0x10040] =	vst v63  }
0x43: {  	s15 =	smov.u32 s13;
	s12 =	smov.u32 s14;
	p1 =	sne.s32 s13, $0xC00  }
.Ltmp5:
0x44: {  	s13 =	sadd.s32 $0x400, s13;
	(pc) =	sbr.rel @p1 .LBB2_7-.Ltmp5, $2  }
0x45: {  	_ =	sdelay $0x2  }
0x46: {  	s14 =	sadd.s32 $0x2000, s14;
	s15 =	sadd.s32 s15, s11  }
.Ltmp6:
0x47: {  	(pc) =	sbr.rel .LBB2_9-.Ltmp6, $2  }
0x48: {  	_ =	sdelay $0x2  }
0x49: {  	[hbm:s15] =	stream.linear.scatter [tilespmem:s12], [sflag:$0x3], $0x2000, $0x38;
	[tilespmem:$0x10040] =	vst v63  }
.LBB2_10:
0x4a: {  	_ =	sfence.sel $0x180000  }
0x4b: {  	s2 =	simm.s32 $0x2;
	[bflag:$0x0] =	sbarrier.arrive $0xFFFF  }
0x4c: {  	s30 =	simm.s32 $0x3;
	[sflag:s2] =	ssyncpa.u1 $0x1  }
0x4d: {  	s31 =	simm.s32 $0x1;
	[sflag:s30] =	ssyncpa.u1 $0x1  }
0x4e: {  	[sflag:s31] =	ssyncpa.u1 $0x1  }
0x4f: {  	p0 =	sne.s32 s1, $0x0;
	_ =	strace $0x90000050  }
0x50: {  	s0 =	sadd.s32 @!p0 $0x100000, s0;
	[bflag:$0x2] =	sbarrier.arrive $0xFFFF  }
0x51: {  	[sflag:s0] =	ssyncadd.tile.s32 @!p0 $0x1;
	_ =	shalt  }
.Lfunc_end2:
_tile_overlayer_lowered:
.L_overlay_start_2:
0x52: {  	(tag) =	ssettag $0x2  }
0x53: {  	s0 =	rddreg [dreg:$0x0];
	s2 =	stileid.u32  }
0x54: {  	s1 =	rddreg [dreg:$0x1];
	p0 =	sne.s32 s2, $0x0  }
0x55: {  	s3 =	rddreg [dreg:$0x2];
	[bflag:$0x3] =	sbarrier.arrive $0xFFFF;
	s2 =	simm.s32 @!p0 $0x1C01  }
0x56: {  	[timem:s3], [sflag:s2] =	dma.local @!p0 [hbm:s0], s1  }
0x57: {  	s0 =	simm.s32 @!p0 $0x1  }
0x58: {  	_ =	swait.ge @!p0 [sflag:s0], s1  }
0x59: {  	s1 =	ssub.s32 @!p0 $0x0, s1;
	[sflag:s0] =	ssyncset.done @!p0 $0x0  }
0x5a: {  	[sflag:s0] =	ssyncadd.s32 @!p0 s1  }
0x5b: {  	[bflag:$0x3] =	sbarrier.arrive $0xFFFF  }
0x5c: {  	_ =	shalt  }

// kernel: gather_offload_async_start
scs
__scs_entry_jumppad:
0x0: {  	(pc) =	sbr.rel $0x88, $3  }
0x1: {  	(tag) =	ssettag $0x0;
	lr =	simm.s32 $0x1  }
0x2: {  	[smem:$0x3F9A] =	sst lr;
	_ =	strace $0xD0000000  }
0x3: {  	_ = 	snop  }
0x4: {  	_ = 	snop  }
0x5: {  	_ = 	snop  }
0x6: {  	_ = 	snop  }
0x7: {  	_ = 	snop  }
__scs_overlays_trampoline_lowered:
0x8: {  	[smem:$0x3FA9] =	sst s0  }
0x9: {  	[smem:$0x3FAA] =	sst s1  }
0xa: {  	[smem:$0x3FAB] =	sst s2  }
0xb: {  	[smem:$0x3FAC] =	sst s3  }
0xc: {  	[smem:$0x3FAD] =	sst s4  }
0xd: {  	[smem:$0x3FAE] =	sst s5  }
0xe: {  	[smem:$0x3FAF] =	sst s6  }
0xf: {  	[smem:$0x3FB0] =	sst s7  }
0x10: {  	[smem:$0x3FB1] =	sst s8  }
0x11: {  	[smem:$0x3FB2] =	sst s9;
	s0 =	simm.s32 @!p0 $0x0  }
0x12: {  	s1 =	sld [smem:$0x3F98];
	s0 =	simm.s32 @p0 $0x1  }
0x13: {  	[smem:$0x3FB3] =	sst s0;
	s0 =	simm.s32 @!p1 $0x0  }
0x14: {  	s2 =	sld [smem:$0x3F97];
	s0 =	simm.s32 @p1 $0x1  }
0x15: {  	[smem:$0x3FB4] =	sst s0;
	s0 =	simm.s32 @!p2 $0x0  }
0x16: {  	s3 =	sld [smem:$0x3FDB];
	s0 =	simm.s32 @p2 $0x1  }
0x17: {  	s4 =	simm.s32 $0x1BF5;
	[smem:$0x3FB6] =	sst s0  }
0x18: {  	s0 =	sld [smem:$0x3F99];
	_ =	swait.ge [sflag:s4], $0x0  }
0x19: {  	s7 =	sld [smem:$0x3F9A]  }
0x1a: {  	s8 =	sadd.s32 $0xFFFFE003, lr  }
0x1b: {  	s9 =	sadd.s32 $0xFFFFFEF7, lr;
	s5 =	simm.s32 $0xFFFFFFFF;
	p2 =	slt.u32 s8, $0xFFFFF086  }
0x1c: {  	p1 =	slt.u32 s9, $0xF7A;
	s5 =	simm.s32 @!p2 $0x0  }
0x1d: {  	s5 =	simm.s32 @p1 $0x1;
	p0 =	seq.s32 s7, s2  }
0x1e: {  	s7 =	smul.u32 @!p0 $0xF7A, s2;
	p2 =	seq.s32 @!p0 s5, $0x0  }
0x1f: {  	s9 =	smul.u32 $0xF7A, s1;
	s8 =	simm.s32 @!p0 $0x1BF5;
	p2 =	por !p2, p0  }
0x20: {  	[sflag:s8] =	ssyncset.s32 @!p0 $0xFFFFF086;
	s6 =	sadd.s32 @!p0 s3, s7;
	s7 =	simm.s32 @!p0 $0x108  }
0x21: {  	s3 =	sadd.s32 s3, s9;
	s6 =	sadd.s32 @!p0 $0x88, s6;
	s7 =	simm.s32 @p2 $0x1082  }
0x22: {  	[simem:s7], [sflag:s8] =	dma.local @!p0 [hbm:s6], $0xF7A  }
0x23: {  	s9 =	sor.u32 $0xD0000000, s2;
	s6 =	simm.s32 $0x108;
	_ =	swait.ge @!p0 [sflag:s8], $0x0  }
0x24: {  	s3 =	sadd.s32 $0x88, s3;
	s6 =	simm.s32 @!p1 $0x1082;
	[sflag:s4] =	ssyncset.s32 $0xFFFFF086  }
0x25: {  	[simem:s6], [sflag:s4] =	dma.local [hbm:s3], $0xF7A  }
0x26: {  	[smem:$0x3F9A] =	sst s1;
	(tag) =	ssettag s2;
	_ =	strace s9  }
0x27: {  	s1 =	sld [smem:$0x3FAA]  }
0x28: {  	s2 =	sld [smem:$0x3FAB]  }
0x29: {  	s4 =	sld [smem:$0x3FAD]  }
0x2a: {  	p0 =	seq.s32 s5, $0x0;
	s5 =	sld [smem:$0x3FAE]  }
0x2b: {  	s6 =	sld [smem:$0x3FAF]  }
0x2c: {  	s7 =	sld [smem:$0x3FB0]  }
0x2d: {  	s3 =	simm.s32 $0x108;
	s8 =	sld [smem:$0x3FB1]  }
0x2e: {  	s3 =	simm.s32 @!p0 $0x1082;
	s9 =	sld [smem:$0x3FB2]  }
0x2f: {  	lr =	sadd.s32 s0, s3;
	s0 =	sld [smem:$0x3FA9]  }
0x30: {  	s3 =	sld [smem:$0x3FAC]  }
0x31: {  	[smem:$0x3FB5] =	sst s10  }
0x32: {  	s10 =	sld [smem:$0x3FB3];
	_ =	sdelay $0x3  }
0x33: {  	p0 =	seq.s32 s10, $0x1;
	s10 =	sld [smem:$0x3FB5];
	_ =	sdelay $0x3  }
0x34: {  	[smem:$0x3FB5] =	sst s10  }
0x35: {  	s10 =	sld [smem:$0x3FB4];
	_ =	sdelay $0x3  }
0x36: {  	p1 =	seq.s32 s10, $0x1;
	s10 =	sld [smem:$0x3FB5];
	_ =	sdelay $0x3  }
0x37: {  	[smem:$0x3FB5] =	sst s10  }
0x38: {  	s10 =	sld [smem:$0x3FB6]  }
0x39: {  	_ = 	snop;
	(pc) =	sbr.ind lr, $3  }
0x3a: {  	_ = 	snop  }
0x3b: {  	_ = 	snop  }
0x3c: {  	p2 =	seq.s32 s10, $0x1;
	s10 =	sld [smem:$0x3FB5]  }
0x3d: {  	_ =	shalt  }
0x3e: {  	_ =	shalt  }
0x3f: {  	_ =	shalt  }
0x40: {  	_ =	shalt  }
0x41: {  	_ =	shalt  }
0x42: {  	_ =	shalt  }
0x43: {  	_ =	shalt  }
0x44: {  	_ =	shalt  }
0x45: {  	_ =	shalt  }
0x46: {  	_ =	shalt  }
0x47: {  	_ =	shalt  }
0x48: {  	_ =	shalt  }
0x49: {  	_ =	shalt  }
0x4a: {  	_ =	shalt  }
0x4b: {  	_ =	shalt  }
0x4c: {  	_ =	shalt  }
0x4d: {  	_ =	shalt  }
0x4e: {  	_ =	shalt  }
0x4f: {  	_ =	shalt  }
0x50: {  	_ =	shalt  }
0x51: {  	_ =	shalt  }
0x52: {  	_ =	shalt  }
0x53: {  	_ =	shalt  }
0x54: {  	_ =	shalt  }
0x55: {  	_ =	shalt  }
0x56: {  	_ =	shalt  }
0x57: {  	_ =	shalt  }
0x58: {  	_ =	shalt  }
0x59: {  	_ =	shalt  }
0x5a: {  	_ =	shalt  }
0x5b: {  	_ =	shalt  }
0x5c: {  	_ =	shalt  }
0x5d: {  	_ =	shalt  }
0x5e: {  	_ =	shalt  }
0x5f: {  	_ =	shalt  }
0x60: {  	_ =	shalt  }
0x61: {  	_ =	shalt  }
0x62: {  	_ =	shalt  }
0x63: {  	_ =	shalt  }
0x64: {  	_ =	shalt  }
0x65: {  	_ =	shalt  }
0x66: {  	_ =	shalt  }
0x67: {  	_ =	shalt  }
0x68: {  	_ =	shalt  }
0x69: {  	_ =	shalt  }
0x6a: {  	_ =	shalt  }
0x6b: {  	_ =	shalt  }
0x6c: {  	_ =	shalt  }
0x6d: {  	_ =	shalt  }
0x6e: {  	_ =	shalt  }
0x6f: {  	_ =	shalt  }
0x70: {  	_ =	shalt  }
0x71: {  	_ =	shalt  }
0x72: {  	_ =	shalt  }
0x73: {  	_ =	shalt  }
0x74: {  	_ =	shalt  }
0x75: {  	_ =	shalt  }
0x76: {  	_ =	shalt  }
0x77: {  	_ =	shalt  }
0x78: {  	_ =	shalt  }
0x79: {  	_ =	shalt  }
0x7a: {  	_ =	shalt  }
0x7b: {  	_ =	shalt  }
0x7c: {  	_ =	shalt  }
0x7d: {  	_ =	shalt  }
0x7e: {  	_ =	shalt  }
0x7f: {  	_ =	shalt  }
0x80: {  	_ =	shalt  }
0x81: {  	_ =	shalt  }
0x82: {  	_ =	shalt  }
0x83: {  	_ =	shalt  }
0x84: {  	_ =	shalt  }
0x85: {  	_ =	shalt  }
0x86: {  	_ =	shalt  }
0x87: {  	_ =	shalt  }
.Lfunc_end0:
.L_simem_size_0:
called_computation.1_lowered:
.L_overlay_start_0:
0x88: {  	s2 =	sld [smem:$0x3FD9]  }
0x89: {  	s3 =	sld [smem:$0x3FFE];
	_ =	sdelay $0x1  }
0x8a: {  	s1 =	srdreg.scid  }
0x8b: {  	s0 =	sand.u32 $0x1, s1  }
0x8c: {  	s14 =	sshll.u32 s0, $0xA;
	s2 =	sadd.s32 s3, s2  }
0x8d: {  	s2 =	sadd.s32 s2, s14  }
0x8e: {  	[smem:$0x3FC1] =	sst s2  }
0x8f: {  	_ = 	snop  }
0x90: {  	s2 =	sld [smem:$0x3FD0];
	_ =	sdelay $0x2  }
0x91: {  	s15 =	simm.s32 $0xB;
	s4 =	simm.s32 $0x10  }
0x92: {  	[smem:s4], [sflag:s15] =	dma.local [hbm:s2], $0x1  }
0x93: {  	_ =	swait.eq [sflag:s15], $0x1  }
0x94: {  	[sflag:s15] =	ssyncset.done $0x0  }
0x95: {  	[sflag:s15] =	ssyncadd.s32 $0xFFFFFFFF  }
0x96: {  	s16 =	sld [smem:$0x11];
	(tm) =	ssettm $0x1  }
0x97: {  	s17 =	sld [smem:$0x3FFB];
	_ =	sdelay $0x3  }
0x98: {  	_ =	strace s17  }
0x99: {  	s3 =	sld [smem:$0x3FFC];
	_ =	sdelay $0x3  }
0x9a: {  	_ =	strace s3  }
0x9b: {  	s3 =	sld [smem:$0x3FFD];
	_ =	sdelay $0x3  }
0x9c: {  	_ =	strace s3  }
0x9d: {  	_ =	strace $0x8FFFFFFF  }
0x9e: {  	s18 =	sld [smem:$0x3FDB];
	_ =	sdelay $0x1  }
0x9f: {  	s19 =	simm.s32 $_scs_section_size  }
0xa0: {  	s5 =	simm.s32 $_size__tile_overlayer_lowered;
	s6 =	simm.s32 $_tile_overlayer_lowered  }
0xa1: {  	s22 =	simm.s32 $0x1BFF;
	s21 =	sshll.u32 s6, $0x1;
	s3 =	sadd.s32 s19, s18  }
0xa2: {  	s7 =	simm.s32 $0x0;
	s20 =	sshll.u32 s5, $0x1;
	s5 =	sadd.s32 s21, s3  }
0xa3: {  	[timem:s7], [sflag:s22] =	dma.local [hbm:s5], s20  }
0xa4: {  	_ =	swait.ge [sflag:s22], s20  }
0xa5: {  	s4 =	ssub.s32 $0x0, s20;
	[sflag:s22] =	ssyncset.done $0x0  }
0xa6: {  	[sflag:s22] =	ssyncadd.s32 s4;
	_ =	sdelay $0x1  }
0xa7: {  	s23 =	simm.s32 $0x1B8B  }
0xa8: {  	_ =	swait.ge [sflag:s23], $0x1  }
0xa9: {  	[sflag:s23] =	ssyncset.done $0x0  }
0xaa: {  	s25 =	simm.s32 $0x1B8E;
	s24 =	sld [smem:$0x3FFE];
	[sflag:s23] =	ssyncadd.s32 $0xFFFFFFFF  }
0xab: {  	s26 =	simm.s32 $execute0_lowered;
	[smem:$0x3FD2] =	sst s25  }
0xac: {  	s5 =	sshll.u32 s26, $0x1;
	_ =	strace $0x80000049;
	[dreg:$0x1] =	wrdreg $0xFFFFFFFF  }
0xad: {  	s28 =	simm.s32 $_size_execute0_lowered;
	s3 =	sadd.s32 s3, s5;
	[dreg:$0x0] =	wrdreg $0x0  }
0xae: {  	s5 =	sshll.u32 s28, $0x1;
	[dreg:$0x2] =	wrdreg s3  }
0xaf: {  	[dreg:$0x3] =	wrdreg s5  }
0xb0: {  	[dreg:$0x4] =	wrdreg $0xC0  }
0xb1: {  	_ =	task [dreg:s7], $0x5FFFF  }
0xb2: {  	[dreg:$0x1] =	wrdreg $0xFFFFFFFF  }
0xb3: {  	[dreg:$0x0] =	wrdreg $0x60  }
0xb4: {  	[dreg:$0x2] =	wrdreg s24  }
0xb5: {  	[dreg:$0x3] =	wrdreg s16  }
0xb6: {  	[dreg:$0x4] =	wrdreg $0x9  }
0xb7: {  	_ =	task.clear_ibuf [dreg:s7], $0x5FFFF;
	_ =	strace $0x90000049  }
0xb8: {  	s29 =	simm.s32 $0x9;
	_ =	strace $0x8000004B  }
0xb9: {  	_ =	swait.ge [sflag:s29], $0x1  }
0xba: {  	[sflag:s29] =	ssyncadd.s32 $0xFFFFFFFF  }
0xbb: {  	_ =	strace $0x9000004B  }
0xbc: {  	_ =	sfence  }
0xbd: {  	s30 =	sld [smem:$0x0];
	_ =	sdelay $0x2  }
0xbe: {  	s31 =	sshll.u32 s1, $0xD;
	s1 =	sshrl.u32 s1, $0x2  }
0xbf: {  	s3 =	sand.u32 $0x4000, s31;
	s1 =	sadd.s32 s1, s30  }
0xc0: {  	s0 =	sor.u32 s3, s0;
	s1 =	sshll.u32 s1, $0x11  }
0xc1: {  	s0 =	sor.u32 s1, s0  }
0xc2: {  	s0 =	sadd.s32 $0x8F2B, s0  }
0xc3: {  	[sflag:s0] =	ssyncadd.remote.s32 $0x1  }
0xc4: {  	_ =	sfence.sel $0xFFFF  }
0xc5: {  	[dreg:$0x0] =	wrdreg $0xFFFFFFFF;
	(pc) =	sbr.abs _section_cstart, $3  }
0xc6: {  	[dreg:$0x1] =	wrdreg $0xFFFFFFFF  }
0xc7: {  	_ =	task.clear_ibuf [dreg:s7], $0x2FFFF;
	_ =	strace $0x9FFFFFFF  }
0xc8: {  	(tm) =	ssettm $0x7FFFFFFF  }
0xc9: {  	_ =	shalt  }
tec
execute0_lowered:
.L_overlay_start_1:
0x0: {  	(tag) =	ssettag $0x1  }
0x1: {  	s1 =	srdreg.scid;
	s5 =	rddreg [dreg:$0x0]  }
0x2: {  	s0 =	stileid.u32;
	s2 =	rddreg [dreg:$0x1];
	s6 =	simm.s32 $0x1  }
0x3: {  	s9 =	simm.s32 $0x1;
	s10 =	simm.s32 $0x3;
	s1 =	sshll.u32 s1, $0x6  }
0x4: {  	s13 =	simm.s32 $0x0;
	s3 =	sshll.u32 s0, $0x7;
	s4 =	sand.u32 $0x40, s1  }
0x5: {  	s12 =	simm.s32 $0x0;
	s1 =	rddreg [dreg:$0x2];
	s3 =	sor.u32 s3, s4  }
0x6: {  	_ =	strace $0x8000004A;
	s4 =	sadd.s32 $0x10800, s5;
	s8 =	ssub.s32 $0x1000, s3  }
.Ltmp0:
0x7: {  	s5 =	sadd.s32 $0x10E00, s5;
	s7 =	sand.u32 $0x7C0, s8;
	(pc) =	sbr.rel .LBB2_1-.Ltmp0, $4  }
0x8: {  	[sflag:s6] =	ssyncpa.u1 $0x0;
	s11 =	smov.u32 s3;
	p0 =	sne.s32 s7, $0x0  }
0x9: {  	s8 =	sshrl.u32 s8, $0xB;
	s7 =	simm.s32 $0x2;
	s9 =	simm.s32 @!p0 $0x0  }
0xa: {  	[sflag:s7] =	ssyncpa.u1 $0x0;
	p0 =	por $0x0, $0x0;
	s8 =	sadd.s32 s9, s8  }
0xb: {  	vm0 =	vmmov $0xffff;
	[sflag:s10] =	ssyncpa.u1 $0x0;
	s10 =	simm.s32 $0x0;
	s9 =	sadd.s32 $0x1, s8  }
.LBB2_4:
0xc: {  	v2 =	vnsel vm1, $0x0, v2  }
0xd: {  	vm1 =	vgt.s32 v0, $0x0;
	v2 =	vmin.u32 v2, $0xFFF  }
0xe: {  	v0 =	vnsel vm1, $0x0, v0  }
0xf: {  	v0 =	vmin.u32 v0, $0xFFF  }
0x10: {  	[tilespmem:s15], [sflag:$0x1] =	stream.indirect_vreg.gather [hbm4b:s4+s10], $0x1, v1, vm0, $0x4038;
	[tilespmem:$0x100] =	vst v63  }
0x11: {  	(ifvalue) =	ssetifvalue $0x7FFFFFFF  }
0x12: {  	[tilespmem:s16], [sflag:$0x1] =	stream.indirect_vreg.gather [hbm4b:s4+s10], $0x1, v2, vm0, $0x4038;
	[tilespmem:$0x100] =	vst v63  }
0x13: {  	s29 =	sadd.s32 $0x10, s16;
	(ifvalue) =	ssetifvalue $0x7FFFFFFF  }
0x14: {  	[tilespmem:s29], [sflag:$0x1] =	stream.indirect_vreg.gather [hbm4b:s4+s10], $0x1, v0, vm0, $0x4038;
	[tilespmem:$0x100] =	vst v63  }
0x15: {  	_ =	swait.ge [sflag:s6], $0x40  }
0x16: {  	s30 =	sshrl.u32 s13, $0x3;
	[sflag:s6] =	ssyncset.done $0x0  }
0x17: {  	s31 =	sand.u32 $0x7, s13;
	s15 =	sadd.s32 s2, s30;
	[sflag:s6] =	ssyncadd.s32 $0xFFFFFFC0  }
0x18: {  	[hbm4b:s15+s31] =	stream.linear.scatter [tilespmem:s14], [sflag:$0x3], $0x40, $0x38;
	[tilespmem:$0x100] =	vst v63  }
.LBB2_5:
0x19: {  	s15 =	sadd.s32 $0x800, s11  }
0x1a: {  	p2 =	sgt.s32 s15, $0xFFF  }
0x1b: {  	s15 =	smov.u32 @p2 s3;
	p2 =	sne.s32 s12, s9  }
.Ltmp1:
0x1c: {  	p1 =	slt.u32 s12, $0x2;
	(pc) =	sbr.rel @!p2 .LBB2_6-.Ltmp1, $4  }
0x1d: {  	s14 =	simm.s32 @!p1 $0x3  }
0x1e: {  	s16 =	sadd.s32 $0x1, s12;
	_ =	swait.ge @!p1 [sflag:s14], $0x40  }
0x1f: {  	s13 =	smov.u32 s11;
	p0 =	por !p0, !p0;
	[sflag:s14] =	ssyncset.done @!p1 $0x0  }
0x20: {  	s12 =	smov.u32 s16;
	s11 =	smov.u32 s15;
	[sflag:s14] =	ssyncadd.s32 @!p1 $0xFFFFFFC0  }
.LBB2_1:
0x21: {  	p1 =	sge.u32 s12, s8  }
0x22: {  	s14 =	sxor.u32 @!p1 $0xFFFFFFFF, s12  }
0x23: {  	s31 =	sadd.s32 $0xFFFFFFFF, s12;
	s15 =	sshrl.u32 @!p1 s11, $0x3;
	s14 =	sshll.u32 @!p1 s14, $0x6  }
0x24: {  	s16 =	sand.u32 @!p1 $0x7, s11;
	s15 =	sadd.s32 @!p1 s5, s15;
	s14 =	sand.u32 @!p1 $0x40, s14  }
0x25: {  	[tilespmem:s14], [sflag:$0x2] =	stream.linear.gather @!p1 [hbm4b:s15+s16], $0x40, $0x38;
	[tilespmem:$0x100] =	vst v63  }
0x26: {  	p1 =	sge.u32 s31, s8  }
.Ltmp2:
0x27: {  	_ = 	snop;
	(pc) =	sbr.rel @p1 .LBB2_5-.Ltmp2, $1  }
0x28: {  	_ =	sdelay $0x3  }
0x29: {  	s14 =	simm.s32 $0x1  }
0x2a: {  	_ =	swait.ge [sflag:s7], $0x40;
	s14 =	simm.s32 @!p0 $0x0  }
0x2b: {  	[sflag:s7] =	ssyncset.done $0x0;
	s14 =	sshll.u32 s14, $0x6  }
0x2c: {  	[sflag:s7] =	ssyncadd.s32 $0xFFFFFFC0;
	(ifvalue) =	ssetifvalue $0x7FFFFFFF;
	v0 =	vld.msk [tilespmem:s14+$0x0 ss:$0x1], $0xffff;
	_ =	sdelay $0x4  }
0x2d: {  	s15 =	sadd.s32 $0x10, s14;
	vm1 =	vgt.s32 v0, $0x0  }
0x2e: {  	v2 =	vld.msk [tilespmem:s15+$0x0 ss:$0x1], $0xffff;
	v1 =	vnsel vm1, $0x0, v0  }
0x2f: {  	v1 =	vmin.u32 v1, $0xFFF;
	_ =	sdelay $0x1  }
0x30: {  	s16 =	sshll.u32 s12, $0x6;
	s18 =	simm.s32 $0x20  }
0x31: {  	s16 =	sand.u32 $0x40, s16;
	s17 =	sadd.s32 $0x10, s15;
	s15 =	sor.u32 $0x80, s14  }
0x32: {  	s14 =	sor.u32 $0x80, s16;
	s16 =	sadd.s32 $0x10, s15;
	v0 =	vld.msk [tilespmem:s17+$0x0 ss:$0x1], $0xffff;
	vm1 =	vgt.s32 v2, $0x0;
	(ifvalue) =	ssetifvalue $0x7FFFFFFF  }
.LBB2_3:
0x33: {  	[tilespmem:s15], [sflag:$0x1] =	stream.indirect_vreg.gather [hbm4b:s4+s10], $0x1, v1, vm0, $0x4038;
	[tilespmem:$0x100] =	vst v63  }
0x34: {  	s18 =	sadd.s32 $0x10, s18  }
0x35: {  	v2 =	vnsel vm1, $0x0, v2;
	p1 =	slt.u32 s18, $0x30  }
.Ltmp3:
0x36: {  	s15 =	smov.u32 s16;
	v1 =	vmin.u32 v2, $0xFFF;
	(pc) =	sbr.rel @p1 .LBB2_3-.Ltmp3, $3  }
0x37: {  	_ =	sdelay $0x1  }
0x38: {  	s17 =	sadd.s32 $0x10, s17  }
0x39: {  	vm1 =	vgt.s32 v0, $0x0;
	s16 =	sadd.s32 $0x10, s16;
	v2 =	vmov v0;
	(ifvalue) =	ssetifvalue $0x7FFFFFFF;
	v0 =	vld.msk [tilespmem:s17+$0x0 ss:$0x1], $0xffff  }
.Ltmp4:
0x3a: {  	_ = 	snop;
	(pc) =	sbr.rel .LBB2_4-.Ltmp4, $1  }
0x3b: {  	_ =	sdelay $0x3  }
.LBB2_6:
0x3c: {  	_ =	sfence.sel $0x180000  }
0x3d: {  	s2 =	simm.s32 $0x2;
	[bflag:$0x0] =	sbarrier.arrive $0xFFFF  }
0x3e: {  	s30 =	simm.s32 $0x3;
	[sflag:s2] =	ssyncpa.u1 $0x1  }
0x3f: {  	s31 =	simm.s32 $0x1;
	[sflag:s30] =	ssyncpa.u1 $0x1  }
0x40: {  	[sflag:s31] =	ssyncpa.u1 $0x1  }
0x41: {  	p0 =	sne.s32 s0, $0x0;
	_ =	strace $0x9000004A  }
0x42: {  	s0 =	sadd.s32 @!p0 $0x100000, s1;
	[bflag:$0x2] =	sbarrier.arrive $0xFFFF  }
0x43: {  	[sflag:s0] =	ssyncadd.tile.s32 @!p0 $0x1;
	_ =	shalt  }
.Lfunc_end2:
_tile_overlayer_lowered:
.L_overlay_start_2:
0x44: {  	(tag) =	ssettag $0x2  }
0x45: {  	s0 =	rddreg [dreg:$0x0];
	s2 =	stileid.u32  }
0x46: {  	s1 =	rddreg [dreg:$0x1];
	p0 =	sne.s32 s2, $0x0  }
0x47: {  	s3 =	rddreg [dreg:$0x2];
	[bflag:$0x3] =	sbarrier.arrive $0xFFFF;
	s2 =	simm.s32 @!p0 $0x1C01  }
0x48: {  	[timem:s3], [sflag:s2] =	dma.local @!p0 [hbm:s0], s1  }
0x49: {  	s0 =	simm.s32 @!p0 $0x1  }
0x4a: {  	_ =	swait.ge @!p0 [sflag:s0], s1  }
0x4b: {  	s1 =	ssub.s32 @!p0 $0x0, s1;
	[sflag:s0] =	ssyncset.done @!p0 $0x0  }
0x4c: {  	[sflag:s0] =	ssyncadd.s32 @!p0 s1  }
0x4d: {  	[bflag:$0x3] =	sbarrier.arrive $0xFFFF  }
0x4e: {  	_ =	shalt  }

// kernel: scatter_offload_async_start
scs
__scs_entry_jumppad:
0x0: {  	(pc) =	sbr.rel $0x88, $3  }
0x1: {  	(tag) =	ssettag $0x0;
	lr =	simm.s32 $0x1  }
0x2: {  	[smem:$0x3F9A] =	sst lr;
	_ =	strace $0xD0000000  }
0x3: {  	_ = 	snop  }
0x4: {  	_ = 	snop  }
0x5: {  	_ = 	snop  }
0x6: {  	_ = 	snop  }
0x7: {  	_ = 	snop  }
__scs_overlays_trampoline_lowered:
0x8: {  	[smem:$0x3FA9] =	sst s0  }
0x9: {  	[smem:$0x3FAA] =	sst s1  }
0xa: {  	[smem:$0x3FAB] =	sst s2  }
0xb: {  	[smem:$0x3FAC] =	sst s3  }
0xc: {  	[smem:$0x3FAD] =	sst s4  }
0xd: {  	[smem:$0x3FAE] =	sst s5  }
0xe: {  	[smem:$0x3FAF] =	sst s6  }
0xf: {  	[smem:$0x3FB0] =	sst s7  }
0x10: {  	[smem:$0x3FB1] =	sst s8  }
0x11: {  	[smem:$0x3FB2] =	sst s9;
	s0 =	simm.s32 @!p0 $0x0  }
0x12: {  	s1 =	sld [smem:$0x3F98];
	s0 =	simm.s32 @p0 $0x1  }
0x13: {  	[smem:$0x3FB3] =	sst s0;
	s0 =	simm.s32 @!p1 $0x0  }
0x14: {  	s2 =	sld [smem:$0x3F97];
	s0 =	simm.s32 @p1 $0x1  }
0x15: {  	[smem:$0x3FB4] =	sst s0;
	s0 =	simm.s32 @!p2 $0x0  }
0x16: {  	s3 =	sld [smem:$0x3FDB];
	s0 =	simm.s32 @p2 $0x1  }
0x17: {  	s4 =	simm.s32 $0x1BF5;
	[smem:$0x3FB6] =	sst s0  }
0x18: {  	s0 =	sld [smem:$0x3F99];
	_ =	swait.ge [sflag:s4], $0x0  }
0x19: {  	s7 =	sld [smem:$0x3F9A]  }
0x1a: {  	s8 =	sadd.s32 $0xFFFFE003, lr  }
0x1b: {  	s9 =	sadd.s32 $0xFFFFFEF7, lr;
	s5 =	simm.s32 $0xFFFFFFFF;
	p2 =	slt.u32 s8, $0xFFFFF086  }
0x1c: {  	p1 =	slt.u32 s9, $0xF7A;
	s5 =	simm.s32 @!p2 $0x0  }
0x1d: {  	s5 =	simm.s32 @p1 $0x1;
	p0 =	seq.s32 s7, s2  }
0x1e: {  	s7 =	smul.u32 @!p0 $0xF7A, s2;
	p2 =	seq.s32 @!p0 s5, $0x0  }
0x1f: {  	s9 =	smul.u32 $0xF7A, s1;
	s8 =	simm.s32 @!p0 $0x1BF5;
	p2 =	por !p2, p0  }
0x20: {  	[sflag:s8] =	ssyncset.s32 @!p0 $0xFFFFF086;
	s6 =	sadd.s32 @!p0 s3, s7;
	s7 =	simm.s32 @!p0 $0x108  }
0x21: {  	s3 =	sadd.s32 s3, s9;
	s6 =	sadd.s32 @!p0 $0x88, s6;
	s7 =	simm.s32 @p2 $0x1082  }
0x22: {  	[simem:s7], [sflag:s8] =	dma.local @!p0 [hbm:s6], $0xF7A  }
0x23: {  	s9 =	sor.u32 $0xD0000000, s2;
	s6 =	simm.s32 $0x108;
	_ =	swait.ge @!p0 [sflag:s8], $0x0  }
0x24: {  	s3 =	sadd.s32 $0x88, s3;
	s6 =	simm.s32 @!p1 $0x1082;
	[sflag:s4] =	ssyncset.s32 $0xFFFFF086  }
0x25: {  	[simem:s6], [sflag:s4] =	dma.local [hbm:s3], $0xF7A  }
0x26: {  	[smem:$0x3F9A] =	sst s1;
	(tag) =	ssettag s2;
	_ =	strace s9  }
0x27: {  	s1 =	sld [smem:$0x3FAA]  }
0x28: {  	s2 =	sld [smem:$0x3FAB]  }
0x29: {  	s4 =	sld [smem:$0x3FAD]  }
0x2a: {  	p0 =	seq.s32 s5, $0x0;
	s5 =	sld [smem:$0x3FAE]  }
0x2b: {  	s6 =	sld [smem:$0x3FAF]  }
0x2c: {  	s7 =	sld [smem:$0x3FB0]  }
0x2d: {  	s3 =	simm.s32 $0x108;
	s8 =	sld [smem:$0x3FB1]  }
0x2e: {  	s3 =	simm.s32 @!p0 $0x1082;
	s9 =	sld [smem:$0x3FB2]  }
0x2f: {  	lr =	sadd.s32 s0, s3;
	s0 =	sld [smem:$0x3FA9]  }
0x30: {  	s3 =	sld [smem:$0x3FAC]  }
0x31: {  	[smem:$0x3FB5] =	sst s10  }
0x32: {  	s10 =	sld [smem:$0x3FB3];
	_ =	sdelay $0x3  }
0x33: {  	p0 =	seq.s32 s10, $0x1;
	s10 =	sld [smem:$0x3FB5];
	_ =	sdelay $0x3  }
0x34: {  	[smem:$0x3FB5] =	sst s10  }
0x35: {  	s10 =	sld [smem:$0x3FB4];
	_ =	sdelay $0x3  }
0x36: {  	p1 =	seq.s32 s10, $0x1;
	s10 =	sld [smem:$0x3FB5];
	_ =	sdelay $0x3  }
0x37: {  	[smem:$0x3FB5] =	sst s10  }
0x38: {  	s10 =	sld [smem:$0x3FB6]  }
0x39: {  	_ = 	snop;
	(pc) =	sbr.ind lr, $3  }
0x3a: {  	_ = 	snop  }
0x3b: {  	_ = 	snop  }
0x3c: {  	p2 =	seq.s32 s10, $0x1;
	s10 =	sld [smem:$0x3FB5]  }
0x3d: {  	_ =	shalt  }
0x3e: {  	_ =	shalt  }
0x3f: {  	_ =	shalt  }
0x40: {  	_ =	shalt  }
0x41: {  	_ =	shalt  }
0x42: {  	_ =	shalt  }
0x43: {  	_ =	shalt  }
0x44: {  	_ =	shalt  }
0x45: {  	_ =	shalt  }
0x46: {  	_ =	shalt  }
0x47: {  	_ =	shalt  }
0x48: {  	_ =	shalt  }
0x49: {  	_ =	shalt  }
0x4a: {  	_ =	shalt  }
0x4b: {  	_ =	shalt  }
0x4c: {  	_ =	shalt  }
0x4d: {  	_ =	shalt  }
0x4e: {  	_ =	shalt  }
0x4f: {  	_ =	shalt  }
0x50: {  	_ =	shalt  }
0x51: {  	_ =	shalt  }
0x52: {  	_ =	shalt  }
0x53: {  	_ =	shalt  }
0x54: {  	_ =	shalt  }
0x55: {  	_ =	shalt  }
0x56: {  	_ =	shalt  }
0x57: {  	_ =	shalt  }
0x58: {  	_ =	shalt  }
0x59: {  	_ =	shalt  }
0x5a: {  	_ =	shalt  }
0x5b: {  	_ =	shalt  }
0x5c: {  	_ =	shalt  }
0x5d: {  	_ =	shalt  }
0x5e: {  	_ =	shalt  }
0x5f: {  	_ =	shalt  }
0x60: {  	_ =	shalt  }
0x61: {  	_ =	shalt  }
0x62: {  	_ =	shalt  }
0x63: {  	_ =	shalt  }
0x64: {  	_ =	shalt  }
0x65: {  	_ =	shalt  }
0x66: {  	_ =	shalt  }
0x67: {  	_ =	shalt  }
0x68: {  	_ =	shalt  }
0x69: {  	_ =	shalt  }
0x6a: {  	_ =	shalt  }
0x6b: {  	_ =	shalt  }
0x6c: {  	_ =	shalt  }
0x6d: {  	_ =	shalt  }
0x6e: {  	_ =	shalt  }
0x6f: {  	_ =	shalt  }
0x70: {  	_ =	shalt  }
0x71: {  	_ =	shalt  }
0x72: {  	_ =	shalt  }
0x73: {  	_ =	shalt  }
0x74: {  	_ =	shalt  }
0x75: {  	_ =	shalt  }
0x76: {  	_ =	shalt  }
0x77: {  	_ =	shalt  }
0x78: {  	_ =	shalt  }
0x79: {  	_ =	shalt  }
0x7a: {  	_ =	shalt  }
0x7b: {  	_ =	shalt  }
0x7c: {  	_ =	shalt  }
0x7d: {  	_ =	shalt  }
0x7e: {  	_ =	shalt  }
0x7f: {  	_ =	shalt  }
0x80: {  	_ =	shalt  }
0x81: {  	_ =	shalt  }
0x82: {  	_ =	shalt  }
0x83: {  	_ =	shalt  }
0x84: {  	_ =	shalt  }
0x85: {  	_ =	shalt  }
0x86: {  	_ =	shalt  }
0x87: {  	_ =	shalt  }
.Lfunc_end0:
.L_simem_size_0:
called_computation_lowered:
.L_overlay_start_0:
0x88: {  	s0 =	sld [smem:$0x3FD9]  }
0x89: {  	s1 =	sld [smem:$0x3FFE];
	_ =	sdelay $0x3  }
0x8a: {  	s0 =	sadd.s32 s1, s0  }
0x8b: {  	[smem:$0x3FC1] =	sst s0  }
0x8c: {  	_ = 	snop  }
0x8d: {  	s0 =	sld [smem:$0x3FD0];
	_ =	sdelay $0x2  }
0x8e: {  	s13 =	simm.s32 $0xB;
	s2 =	simm.s32 $0x10  }
0x8f: {  	[smem:s2], [sflag:s13] =	dma.local [hbm:s0], $0x1  }
0x90: {  	_ =	swait.eq [sflag:s13], $0x1  }
0x91: {  	[sflag:s13] =	ssyncset.done $0x0  }
0x92: {  	s14 =	sld [smem:$0x10];
	[sflag:s13] =	ssyncadd.s32 $0xFFFFFFFF  }
0x93: {  	s15 =	sld [smem:$0x11];
	(tm) =	ssettm $0x1  }
0x94: {  	s16 =	sld [smem:$0x3FFB];
	_ =	sdelay $0x3  }
0x95: {  	_ =	strace s16  }
0x96: {  	s2 =	sld [smem:$0x3FFC];
	_ =	sdelay $0x3  }
0x97: {  	_ =	strace s2  }
0x98: {  	s2 =	sld [smem:$0x3FFD];
	_ =	sdelay $0x3  }
0x99: {  	_ =	strace s2  }
0x9a: {  	_ =	strace $0x8FFFFFFF  }
0x9b: {  	s17 =	sld [smem:$0x3FDB];
	_ =	sdelay $0x1  }
0x9c: {  	s3 =	simm.s32 $_scs_section_size  }
0x9d: {  	s4 =	simm.s32 $_size__tile_overlayer_lowered;
	s5 =	simm.s32 $_tile_overlayer_lowered  }
0x9e: {  	s20 =	simm.s32 $0x1BFF;
	s19 =	sshll.u32 s5, $0x1;
	s2 =	sadd.s32 s3, s17  }
0x9f: {  	s6 =	simm.s32 $0x0;
	s18 =	sshll.u32 s4, $0x1;
	s4 =	sadd.s32 s19, s2  }
0xa0: {  	[timem:s6], [sflag:s20] =	dma.local [hbm:s4], s18  }
0xa1: {  	_ =	swait.ge [sflag:s20], s18  }
0xa2: {  	s3 =	ssub.s32 $0x0, s18;
	[sflag:s20] =	ssyncset.done $0x0  }
0xa3: {  	[sflag:s20] =	ssyncadd.s32 s3;
	_ =	sdelay $0x1  }
0xa4: {  	s21 =	simm.s32 $0x1B8B  }
0xa5: {  	_ =	swait.ge [sflag:s21], $0x1  }
0xa6: {  	[sflag:s21] =	ssyncset.done $0x0  }
0xa7: {  	s23 =	simm.s32 $0x1B8E;
	s22 =	sld [smem:$0x3FFE];
	[sflag:s21] =	ssyncadd.s32 $0xFFFFFFFF  }
0xa8: {  	s24 =	simm.s32 $execute0_lowered;
	[smem:$0x3FD2] =	sst s23  }
0xa9: {  	s4 =	sshll.u32 s24, $0x1;
	_ =	strace $0x80000046;
	[dreg:$0x1] =	wrdreg $0xFFFFFFFF  }
0xaa: {  	s25 =	simm.s32 $_size_execute0_lowered;
	s2 =	sadd.s32 s2, s4;
	[dreg:$0x0] =	wrdreg $0x0  }
0xab: {  	s4 =	sshll.u32 s25, $0x1;
	[dreg:$0x2] =	wrdreg s2  }
0xac: {  	[dreg:$0x3] =	wrdreg s4  }
0xad: {  	[dreg:$0x4] =	wrdreg $0xC0  }
0xae: {  	_ =	task [dreg:s6], $0x5FFFF  }
0xaf: {  	[dreg:$0x1] =	wrdreg $0xFFFFFFFF  }
0xb0: {  	[dreg:$0x0] =	wrdreg $0x60  }
0xb1: {  	[dreg:$0x2] =	wrdreg s22  }
0xb2: {  	[dreg:$0x3] =	wrdreg s15  }
0xb3: {  	[dreg:$0x4] =	wrdreg s14  }
0xb4: {  	[dreg:$0x5] =	wrdreg $0x9  }
0xb5: {  	_ =	task.clear_ibuf [dreg:s6], $0x6FFFF;
	_ =	strace $0x90000046  }
0xb6: {  	s26 =	simm.s32 $0x9;
	_ =	strace $0x80000048  }
0xb7: {  	_ =	swait.ge [sflag:s26], $0x1  }
0xb8: {  	[sflag:s26] =	ssyncadd.s32 $0xFFFFFFFF  }
0xb9: {  	_ =	strace $0x90000048  }
0xba: {  	_ =	sfence  }
0xbb: {  	s28 =	sld [smem:$0x0];
	_ =	sdelay $0x1  }
0xbc: {  	s29 =	srdreg.scid  }
0xbd: {  	s30 =	sshll.u32 s29, $0xD;
	s31 =	sshrl.u32 s29, $0x2  }
0xbe: {  	s1 =	sand.u32 $0x1, s29;
	s2 =	sand.u32 $0x4000, s30;
	s0 =	sadd.s32 s31, s28  }
0xbf: {  	s1 =	sor.u32 s2, s1;
	s0 =	sshll.u32 s0, $0x11  }
0xc0: {  	s0 =	sor.u32 s0, s1  }
0xc1: {  	s0 =	sadd.s32 $0x8F2B, s0  }
0xc2: {  	[sflag:s0] =	ssyncadd.remote.s32 $0x1  }
0xc3: {  	_ =	sfence.sel $0xFFFF  }
0xc4: {  	[dreg:$0x0] =	wrdreg $0xFFFFFFFF;
	(pc) =	sbr.abs _section_cstart, $3  }
0xc5: {  	[dreg:$0x1] =	wrdreg $0xFFFFFFFF  }
0xc6: {  	_ =	task.clear_ibuf [dreg:s6], $0x2FFFF;
	_ =	strace $0x9FFFFFFF  }
0xc7: {  	(tm) =	ssettm $0x7FFFFFFF  }
tec
execute0_lowered:
.L_overlay_start_1:
0x0: {  	(tag) =	ssettag $0x1  }
0x1: {  	s1 =	rddreg [dreg:$0x0]  }
0x2: {  	s5 =	rddreg [dreg:$0x1]  }
0x3: {  	s6 =	rddreg [dreg:$0x2]  }
0x4: {  	s0 =	rddreg [dreg:$0x3];
	_ =	strace $0x80000047;
	s7 =	stileid.u32  }
0x5: {  	s3 =	simm.s32 $0x3E;
	s1 =	sadd.s32 $0x311600, s1;
	p0 =	sne.s32 s7, $0x0  }
0x6: {  	[sflag:s3] =	ssyncpa.u1 $0x0;
	s4 =	simm.s32 @!p0 $0x1C3E;
	s2 =	simm.s32 @!p0 $0x0  }
0x7: {  	[spmem:s2], [sflag:s4] =	dma.local @!p0 [hbm:s1], $0x10  }
0x8: {  	s4 =	simm.s32 @!p0 $0x3E  }
0x9: {  	_ =	swait.ge @!p0 [sflag:s4], $0x10  }
0xa: {  	[sflag:s4] =	ssyncset.done @!p0 $0x0  }
0xb: {  	[sflag:s4] =	ssyncadd.s32 @!p0 $0xFFFFFFF0  }
0xc: {  	s9 =	simm.s32 $0x108;
	[bflag:$0x0] =	sbarrier.arrive $0xFFFF  }
0xd: {  	s7 =	sshll.u32 s7, $0x5;
	[sflag:s3] =	ssyncpa.u1 $0x1;
	s3 =	simm.s32 $0x1  }
0xe: {  	s8 =	sadd.s32 s5, s7;
	s4 =	simm.s32 $0x2;
	[sflag:s3] =	ssyncpa.u1 $0x0  }
0xf: {  	s5 =	simm.s32 $0x0;
	(ifvalue) =	ssetifvalue $0x80;
	[sflag:s4] =	ssyncpa.u1 $0x0  }
0x10: {  	[tilespmem:s9], [sflag:$0x2] =	stream.linear.gather [hbm4b:s8+s5], $0x100, $0x38;
	[tilespmem:$0x408] =	vst v63  }
0x11: {  	s23 =	simm.s32 $0x308;
	s6 =	sadd.s32 s6, s7  }
0x12: {  	[tilespmem:s23], [sflag:$0x2] =	stream.linear.gather [hbm4b:s6+s5], $0x100, $0x38;
	[tilespmem:$0x408] =	vst v63  }
0x13: {  	_ =	swait.ge [sflag:s4], $0x200  }
0x14: {  	[sflag:s4] =	ssyncset.done $0x0  }
0x15: {  	[sflag:s4] =	ssyncadd.s32 $0xFFFFFE00  }
0x16: {  	v0 =	vld.msk [tilespmem:s9+$0x0 ss:$0x1], $0xffff;
	_ =	sdelay $0x4  }
0x17: {  	v0 =	vmin.u32 v0, $0x80;
	_ =	sdelay $0x3  }
0x18: {  	vm0 =	vmmov $0xffff;
	s24 =	simm.s32 $0x118  }
0x19: {  	[spmem:s5] =	stream.indirect_vreg.scatter.add.s32 [tilespmem:s23], [sflag:$0x1], $0x1, v0, vm0, $0x4038;
	[tilespmem:$0x408] =	vst v63  }
0x1a: {  	v0 =	vld.msk [tilespmem:s24+$0x0 ss:$0x1], $0xffff;
	_ =	sdelay $0x4  }
0x1b: {  	v0 =	vmin.u32 v0, $0x80;
	_ =	sdelay $0x3  }
0x1c: {  	s25 =	simm.s32 $0x318;
	s26 =	simm.s32 $0x128  }
0x1d: {  	[spmem:s5] =	stream.indirect_vreg.scatter.add.s32 [tilespmem:s25], [sflag:$0x1], $0x1, v0, vm0, $0x4038;
	[tilespmem:$0x408] =	vst v63  }
0x1e: {  	v0 =	vld.msk [tilespmem:s26+$0x0 ss:$0x1], $0xffff;
	_ =	sdelay $0x4  }
0x1f: {  	v0 =	vmin.u32 v0, $0x80;
	_ =	sdelay $0x3  }
0x20: {  	s28 =	simm.s32 $0x328;
	s29 =	simm.s32 $0x138  }
0x21: {  	[spmem:s5] =	stream.indirect_vreg.scatter.add.s32 [tilespmem:s28], [sflag:$0x1], $0x1, v0, vm0, $0x4038;
	[tilespmem:$0x408] =	vst v63  }
0x22: {  	v0 =	vld.msk [tilespmem:s29+$0x0 ss:$0x1], $0xffff;
	_ =	sdelay $0x4  }
0x23: {  	v0 =	vmin.u32 v0, $0x80;
	_ =	sdelay $0x3  }
0x24: {  	s30 =	simm.s32 $0x338;
	s31 =	simm.s32 $0x148  }
0x25: {  	[spmem:s5] =	stream.indirect_vreg.scatter.add.s32 [tilespmem:s30], [sflag:$0x1], $0x1, v0, vm0, $0x4038;
	[tilespmem:$0x408] =	vst v63  }
0x26: {  	v0 =	vld.msk [tilespmem:s31+$0x0 ss:$0x1], $0xffff;
	_ =	sdelay $0x4  }
0x27: {  	v0 =	vmin.u32 v0, $0x80;
	_ =	sdelay $0x3  }
0x28: {  	s7 =	simm.s32 $0x348;
	s8 =	simm.s32 $0x158  }
0x29: {  	[spmem:s5] =	stream.indirect_vreg.scatter.add.s32 [tilespmem:s7], [sflag:$0x1], $0x1, v0, vm0, $0x4038;
	[tilespmem:$0x408] =	vst v63  }
0x2a: {  	v0 =	vld.msk [tilespmem:s8+$0x0 ss:$0x1], $0xffff;
	_ =	sdelay $0x4  }
0x2b: {  	v0 =	vmin.u32 v0, $0x80;
	_ =	sdelay $0x3  }
0x2c: {  	s10 =	simm.s32 $0x168;
	s9 =	simm.s32 $0x358  }
0x2d: {  	[spmem:s5] =	stream.indirect_vreg.scatter.add.s32 [tilespmem:s9], [sflag:$0x1], $0x1, v0, vm0, $0x4038;
	[tilespmem:$0x408] =	vst v63  }
0x2e: {  	v0 =	vld.msk [tilespmem:s10+$0x0 ss:$0x1], $0xffff;
	_ =	sdelay $0x4  }
0x2f: {  	v0 =	vmin.u32 v0, $0x80;
	_ =	sdelay $0x3  }
0x30: {  	s11 =	simm.s32 $0x368;
	s12 =	simm.s32 $0x178  }
0x31: {  	[spmem:s5] =	stream.indirect_vreg.scatter.add.s32 [tilespmem:s11], [sflag:$0x1], $0x1, v0, vm0, $0x4038;
	[tilespmem:$0x408] =	vst v63  }
0x32: {  	v0 =	vld.msk [tilespmem:s12+$0x0 ss:$0x1], $0xffff;
	_ =	sdelay $0x4  }
0x33: {  	v0 =	vmin.u32 v0, $0x80;
	_ =	sdelay $0x3  }
0x34: {  	s13 =	simm.s32 $0x378;
	s14 =	simm.s32 $0x188  }
0x35: {  	[spmem:s5] =	stream.indirect_vreg.scatter.add.s32 [tilespmem:s13], [sflag:$0x1], $0x1, v0, vm0, $0x4038;
	[tilespmem:$0x408] =	vst v63  }
0x36: {  	v0 =	vld.msk [tilespmem:s14+$0x0 ss:$0x1], $0xffff;
	_ =	sdelay $0x4  }
0x37: {  	v0 =	vmin.u32 v0, $0x80;
	_ =	sdelay $0x3  }
0x38: {  	s15 =	simm.s32 $0x388;
	s16 =	simm.s32 $0x198  }
0x39: {  	[spmem:s5] =	stream.indirect_vreg.scatter.add.s32 [tilespmem:s15], [sflag:$0x1], $0x1, v0, vm0, $0x4038;
	[tilespmem:$0x408] =	vst v63  }
0x3a: {  	v0 =	vld.msk [tilespmem:s16+$0x0 ss:$0x1], $0xffff;
	_ =	sdelay $0x4  }
0x3b: {  	v0 =	vmin.u32 v0, $0x80;
	_ =	sdelay $0x3  }
0x3c: {  	s17 =	simm.s32 $0x398;
	s18 =	simm.s32 $0x1A8  }
0x3d: {  	[spmem:s5] =	stream.indirect_vreg.scatter.add.s32 [tilespmem:s17], [sflag:$0x1], $0x1, v0, vm0, $0x4038;
	[tilespmem:$0x408] =	vst v63  }
0x3e: {  	v0 =	vld.msk [tilespmem:s18+$0x0 ss:$0x1], $0xffff;
	_ =	sdelay $0x4  }
0x3f: {  	v0 =	vmin.u32 v0, $0x80;
	_ =	sdelay $0x3  }
0x40: {  	s19 =	simm.s32 $0x3A8;
	s20 =	simm.s32 $0x1B8  }
0x41: {  	[spmem:s5] =	stream.indirect_vreg.scatter.add.s32 [tilespmem:s19], [sflag:$0x1], $0x1, v0, vm0, $0x4038;
	[tilespmem:$0x408] =	vst v63  }
0x42: {  	v0 =	vld.msk [tilespmem:s20+$0x0 ss:$0x1], $0xffff;
	_ =	sdelay $0x4  }
0x43: {  	v0 =	vmin.u32 v0, $0x80;
	_ =	sdelay $0x3  }
0x44: {  	s21 =	simm.s32 $0x3B8;
	s22 =	simm.s32 $0x1C8  }
0x45: {  	[spmem:s5] =	stream.indirect_vreg.scatter.add.s32 [tilespmem:s21], [sflag:$0x1], $0x1, v0, vm0, $0x4038;
	[tilespmem:$0x408] =	vst v63  }
0x46: {  	v0 =	vld.msk [tilespmem:s22+$0x0 ss:$0x1], $0xffff;
	_ =	sdelay $0x4  }
0x47: {  	v0 =	vmin.u32 v0, $0x80;
	_ =	sdelay $0x3  }
0x48: {  	s23 =	simm.s32 $0x3C8;
	s24 =	simm.s32 $0x1D8  }
0x49: {  	[spmem:s5] =	stream.indirect_vreg.scatter.add.s32 [tilespmem:s23], [sflag:$0x1], $0x1, v0, vm0, $0x4038;
	[tilespmem:$0x408] =	vst v63  }
0x4a: {  	v0 =	vld.msk [tilespmem:s24+$0x0 ss:$0x1], $0xffff;
	_ =	sdelay $0x4  }
0x4b: {  	v0 =	vmin.u32 v0, $0x80;
	_ =	sdelay $0x3  }
0x4c: {  	s25 =	simm.s32 $0x3D8;
	s26 =	simm.s32 $0x1E8  }
0x4d: {  	[spmem:s5] =	stream.indirect_vreg.scatter.add.s32 [tilespmem:s25], [sflag:$0x1], $0x1, v0, vm0, $0x4038;
	[tilespmem:$0x408] =	vst v63  }
0x4e: {  	v0 =	vld.msk [tilespmem:s26+$0x0 ss:$0x1], $0xffff;
	_ =	sdelay $0x4  }
0x4f: {  	v0 =	vmin.u32 v0, $0x80;
	_ =	sdelay $0x3  }
0x50: {  	s28 =	simm.s32 $0x3E8;
	s29 =	simm.s32 $0x1F8  }
0x51: {  	[spmem:s5] =	stream.indirect_vreg.scatter.add.s32 [tilespmem:s28], [sflag:$0x1], $0x1, v0, vm0, $0x4038;
	[tilespmem:$0x408] =	vst v63  }
0x52: {  	v0 =	vld.msk [tilespmem:s29+$0x0 ss:$0x1], $0xffff;
	_ =	sdelay $0x4  }
0x53: {  	v0 =	vmin.u32 v0, $0x80;
	_ =	sdelay $0x3  }
0x54: {  	s30 =	simm.s32 $0x3F8  }
0x55: {  	[spmem:s5] =	stream.indirect_vreg.scatter.add.s32 [tilespmem:s30], [sflag:$0x1], $0x1, v0, vm0, $0x4038;
	[tilespmem:$0x408] =	vst v63  }
0x56: {  	_ =	swait.ge [sflag:s3], $0x100  }
0x57: {  	[sflag:s3] =	ssyncset.done $0x0  }
0x58: {  	[sflag:s3] =	ssyncadd.s32 $0xFFFFFF00  }
0x59: {  	_ =	sfence.sel $0x180000  }
0x5a: {  	[bflag:$0x0] =	sbarrier.arrive $0xFFFF  }
0x5b: {  	[sflag:s4] =	ssyncpa.u1 $0x1  }
0x5c: {  	[sflag:s3] =	ssyncpa.u1 $0x1  }
0x5d: {  	_ =	sfence.stream.spmem  }
0x5e: {  	s31 =	simm.s32 $0x3D;
	[bflag:$0x0] =	sbarrier.arrive $0xFFFF  }
0x5f: {  	s3 =	simm.s32 @p0 $0x3D;
	[sflag:s31] =	ssyncpa.u1 $0x0  }
0x60: {  	[sflag:s3] =	ssyncpa.u1 @p0 $0x1  }
0x61: {  	[bflag:$0x0] =	sbarrier.arrive @p0 $0xFFFF  }
0x62: {  	_ =	strace @p0 $0x90000047  }
0x63: {  	s3 =	simm.s32 @!p0 $0x1C3D;
	[bflag:$0x2] =	sbarrier.arrive @p0 $0xFFFF  }
0x64: {  	[hbm:s1], [sflag:s3] =	dma.local @!p0 [spmem:s2], $0x10  }
0x65: {  	s1 =	simm.s32 @!p0 $0x3D  }
0x66: {  	_ =	swait.ge @!p0 [sflag:s1], $0x10  }
0x67: {  	[sflag:s1] =	ssyncset.done @!p0 $0x0  }
0x68: {  	[sflag:s1] =	ssyncadd.s32 @!p0 $0xFFFFFFF0  }
0x69: {  	[sflag:s1] =	ssyncpa.u1 @!p0 $0x1  }
0x6a: {  	[bflag:$0x0] =	sbarrier.arrive @!p0 $0xFFFF  }
0x6b: {  	_ =	strace @!p0 $0x90000047  }
0x6c: {  	s0 =	sadd.s32 @!p0 $0x100000, s0;
	[bflag:$0x2] =	sbarrier.arrive @!p0 $0xFFFF  }
0x6d: {  	[sflag:s0] =	ssyncadd.tile.s32 @!p0 $0x1;
	_ =	shalt  }
.Lfunc_end2:
_tile_overlayer_lowered:
.L_overlay_start_2:
0x6e: {  	(tag) =	ssettag $0x2  }
0x6f: {  	s0 =	rddreg [dreg:$0x0];
	s2 =	stileid.u32  }
0x70: {  	s1 =	rddreg [dreg:$0x1];
	p0 =	sne.s32 s2, $0x0  }
0x71: {  	s3 =	rddreg [dreg:$0x2];
	[bflag:$0x3] =	sbarrier.arrive $0xFFFF;
	s2 =	simm.s32 @!p0 $0x1C01  }
0x72: {  	[timem:s3], [sflag:s2] =	dma.local @!p0 [hbm:s0], s1  }
0x73: {  	s0 =	simm.s32 @!p0 $0x1  }
0x74: {  	_ =	swait.ge @!p0 [sflag:s0], s1  }
0x75: {  	s1 =	ssub.s32 @!p0 $0x0, s1;
	[sflag:s0] =	ssyncset.done @!p0 $0x0  }
0x76: {  	[sflag:s0] =	ssyncadd.s32 @!p0 s1  }
0x77: {  	[bflag:$0x3] =	sbarrier.arrive $0xFFFF  }
0x78: {  	_ =	shalt  }

</sc_bundles>
